<compile_context>
chip_gen: v7x
topology: tpu7x:2x2x1
jax: 0.10.2.dev20260603
libtpu: 0.0.44.dev20260713+nightly
codegen_flags: <defaults>
</compile_context>

<pallas_src>
import functools

import jax
import jax.numpy as jnp
from jax import lax
from jax.experimental import pallas as pl


_S = 8


def _mbl_kernel(loc_ref, conf_ref, occ_ref, pri_ref, tgt_ref, out_ref,
                *, P, L, C, NO):
    f32 = jnp.float32
    s_iota = lax.broadcasted_iota(jnp.int32, (_S, L), 0)
    l_iota = lax.broadcasted_iota(jnp.int32, (_S, L), 1)
    gidx = s_iota * L + l_iota
    valid = gidx < P

    cx = pri_ref[0]
    cy = pri_ref[1]
    w = pri_ref[2]
    h = pri_ref[3]
    px0 = cx - w * 0.5
    py0 = cy - h * 0.5
    px1 = cx + w * 0.5
    py1 = cy + h * 0.5
    parea = (px1 - px0) * (py1 - py0)

    tg = tgt_ref[0]

    bto = jnp.full((_S, L), -2.0, f32)
    bti = jnp.zeros((_S, L), jnp.int32)
    bpi = []
    for j in range(NO):
        tx0 = tg[0, j]
        ty0 = tg[1, j]
        tx1 = tg[2, j]
        ty1 = tg[3, j]
        iw = jnp.maximum(jnp.minimum(px1, tx1) - jnp.maximum(px0, tx0), 0.0)
        ih = jnp.maximum(jnp.minimum(py1, ty1) - jnp.maximum(py0, ty0), 0.0)
        inter = iw * ih
        ta = (tx1 - tx0) * (ty1 - ty0)
        ov = inter / (ta + parea - inter)
        ov = jnp.where(valid, ov, -1.0)
        m = jnp.max(ov)
        bpi.append(jnp.min(jnp.where(ov == m, gidx, P)))
        upd = ov > bto
        bto = jnp.where(upd, ov, bto)
        bti = jnp.where(upd, j, bti)

    for j in range(NO):
        msk = gidx == bpi[j]
        bto = jnp.where(msk, 2.0, bto)
        bti = jnp.where(msk, j, bti)

    acc = [jnp.full((_S, L), tg[r, 0], f32) for r in range(6)]
    for j in range(1, NO):
        msk = bti == j
        for r in range(6):
            acc[r] = jnp.where(msk, tg[r, j], acc[r])
    mx0, my0, mx1, my1, lab, tiou = acc

    conf_t = jnp.where(bto < 0.5, 0, lab.astype(jnp.int32) + 1)
    pos = conf_t > 0
    npos = jnp.sum(jnp.where(pos, 1.0, 0.0))

    g_cx = ((mx0 + mx1) * 0.5 - cx) / (0.1 * w)
    g_cy = ((my0 + my1) * 0.5 - cy) / (0.1 * h)
    g_w = jnp.log((mx1 - mx0) / w) / 0.2
    g_h = jnp.log((my1 - my0) / h) / 0.2
    sl1 = jnp.zeros((_S, L), f32)
    for d, g in enumerate((g_cx, g_cy, g_w, g_h)):
        diff = loc_ref[0, d] - g
        ad = jnp.abs(diff)
        sl1 = sl1 + jnp.where(ad < 1.0, 0.5 * diff * diff, ad - 0.5)
    loss_l = jnp.sum(jnp.where(pos, sl1, 0.0))

    occv = occ_ref[0, 0]
    iou_p = jnp.where(tiou == -1.0, -1.0, occv)
    loss_o = jnp.sum(jnp.where(pos, (iou_p - tiou) ** 2, 0.0))

    cf = conf_ref[0]
    sm = jnp.sum(jnp.exp(cf), axis=0)
    lse = jnp.log(sm)
    planes = [cf[c] for c in range(C)]
    idx = conf_t
    while len(planes) > 1:
        bit0 = (idx & 1) == 1
        nxt = []
        for c in range(0, len(planes) - 1, 2):
            nxt.append(jnp.where(bit0, planes[c + 1], planes[c]))
        if len(planes) % 2 == 1:
            nxt.append(planes[-1])
        planes = nxt
        idx = idx >> 1
    gathered = planes[0]
    ce = lse - gathered
    sum_pos_ce = jnp.sum(jnp.where(pos, ce, 0.0))
    mine = jnp.where(pos | jnp.logical_not(valid), 0.0, ce)

    k_f = jnp.minimum(npos * 3.0, jnp.float32(P - 1))

    def body(i, cand):
        cand2 = cand | (jnp.int32(1) << (jnp.int32(30) - i))
        thr = lax.bitcast_convert_type(
            jnp.broadcast_to(cand2, (_S, L)), f32)
        cnt = jnp.sum(jnp.where(mine >= thr, 1.0, 0.0))
        return jnp.where(cnt >= k_f, cand2, cand)

    cand = lax.fori_loop(0, 31, body, jnp.int32(0))
    thr_v = lax.bitcast_convert_type(jnp.broadcast_to(cand, (_S, L)), f32)
    thr = jnp.max(thr_v)
    cnt_gt = jnp.sum(jnp.where(mine > thr_v, 1.0, 0.0))
    sum_gt = jnp.sum(jnp.where(mine > thr_v, mine, 0.0))
    loss_c = sum_pos_ce + sum_gt + (k_f - cnt_gt) * thr

    o_iota = lax.broadcasted_iota(jnp.int32, (1, 128), 1)
    outv = jnp.where(o_iota == 0, loss_l, 0.0)
    outv = jnp.where(o_iota == 1, loss_c, outv)
    outv = jnp.where(o_iota == 2, loss_o, outv)
    outv = jnp.where(o_iota == 3, npos, outv)
    out_ref[0] = outv


def kernel(loc_data, conf_data, occluded_data, targets, priors):
    B, P, C = conf_data.shape
    NO = targets.shape[1]
    p_pad = ((P + _S * 128 - 1) // (_S * 128)) * (_S * 128)
    L = p_pad // _S
    pad = p_pad - P

    locT = jnp.pad(jnp.transpose(loc_data, (0, 2, 1)),
                   ((0, 0), (0, 0), (0, pad))).reshape(B, 4, _S, L)
    confT = jnp.pad(jnp.transpose(conf_data, (0, 2, 1)),
                    ((0, 0), (0, 0), (0, pad))).reshape(B, C, _S, L)
    occT = jnp.pad(occluded_data.reshape(B, 1, P),
                   ((0, 0), (0, 0), (0, pad))).reshape(B, 1, _S, L)
    priT = jnp.pad(priors.T, ((0, 0), (0, pad))).reshape(4, _S, L)
    tgtT = jnp.transpose(targets, (0, 2, 1))

    out = pl.pallas_call(
        functools.partial(_mbl_kernel, P=P, L=L, C=C, NO=NO),
        grid=(B,),
        in_specs=[
            pl.BlockSpec((1, 4, _S, L), lambda b: (b, 0, 0, 0)),
            pl.BlockSpec((1, C, _S, L), lambda b: (b, 0, 0, 0)),
            pl.BlockSpec((1, 1, _S, L), lambda b: (b, 0, 0, 0)),
            pl.BlockSpec((4, _S, L), lambda b: (0, 0, 0)),
            pl.BlockSpec((1, 6, NO), lambda b: (b, 0, 0)),
        ],
        out_specs=pl.BlockSpec((1, 1, 128), lambda b: (b, 0, 0)),
        out_shape=jax.ShapeDtypeStruct((B, 1, 128), jnp.float32),
    )(locT, confT, occT, priT, tgtT)

    loss_l = jnp.sum(out[:, 0, 0])
    loss_c = jnp.sum(out[:, 0, 1])
    loss_o = jnp.sum(out[:, 0, 2])
    n = jnp.sum(out[:, 0, 3])
    return (loss_l / n, loss_c / n, loss_o / n)

# --- scband reference (transcript-rebuilt; emitter-appended) ---
"""Pipeline reference for scband-multi-box-loss-73435350827520 (READ-ONLY COPY).

The authoritative reference and input builder live on the scoring server;
editing this copy changes nothing except your own understanding.
"""

import jax, jax.numpy as jnp
import numpy as np

NUM_CLASSES = 21
NEGPOS_RATIO = 3
THRESHOLD = 0.5
VARIANCES = (0.1, 0.2)
NUM_PRIORS = 24564
BATCH = 32
NUM_OBJS = 10


def point_form(boxes):
    return jnp.concatenate([boxes[:, :2] - boxes[:, 2:] / 2.0,
                            boxes[:, :2] + boxes[:, 2:] / 2.0], axis=1)


def jaccard(box_a, box_b):
    max_xy = jnp.minimum(box_a[:, None, 2:], box_b[None, :, 2:])
    min_xy = jnp.maximum(box_a[:, None, :2], box_b[None, :, :2])
    inter_wh = jnp.maximum(max_xy - min_xy, 0.0)
    inter = inter_wh[..., 0] * inter_wh[..., 1]
    area_a = ((box_a[:, 2] - box_a[:, 0]) * (box_a[:, 3] - box_a[:, 1]))[:, None]
    area_b = ((box_b[:, 2] - box_b[:, 0]) * (box_b[:, 3] - box_b[:, 1]))[None, :]
    union = area_a + area_b - inter
    return inter / union


def encode(matched, priors, variances):
    g_cxcy = (matched[:, :2] + matched[:, 2:]) / 2.0 - priors[:, :2]
    g_cxcy = g_cxcy / (variances[0] * priors[:, 2:])
    g_wh = (matched[:, 2:] - matched[:, :2]) / priors[:, 2:]
    g_wh = jnp.log(g_wh) / variances[1]
    return jnp.concatenate([g_cxcy, g_wh], axis=1)


def match_one(truths, labels, ious, priors):
    overlaps = jaccard(truths, point_form(priors))  # [n_obj, n_priors]
    best_prior_idx = jnp.argmax(overlaps, axis=1)   # [n_obj]
    best_truth_overlap = jnp.max(overlaps, axis=0)  # [n_priors]
    best_truth_idx = jnp.argmax(overlaps, axis=0)   # [n_priors]
    best_truth_overlap = best_truth_overlap.at[best_prior_idx].set(2.0)
    best_truth_idx = best_truth_idx.at[best_prior_idx].set(jnp.arange(truths.shape[0], dtype=best_truth_idx.dtype))
    matches = jnp.take(truths, best_truth_idx, axis=0)
    conf = jnp.take(labels, best_truth_idx, axis=0).astype(jnp.int32) + 1
    conf = jnp.where(best_truth_overlap < THRESHOLD, 0, conf)
    loc = encode(matches, priors, VARIANCES)
    occ = jnp.take(ious, best_truth_idx, axis=0)[:, None]
    return loc, conf, occ


def setup_inputs(seed: int = 0) -> dict:
    key = jax.random.key(seed)
    ks = jax.random.split(key, 10)
    loc_data = jax.random.normal(ks[0], (BATCH, NUM_PRIORS, 4), jnp.float32)
    conf_data = jax.random.normal(ks[1], (BATCH, NUM_PRIORS, NUM_CLASSES), jnp.float32)
    occluded_data = jax.random.uniform(ks[2], (BATCH, NUM_PRIORS, 1), jnp.float32)
    cxy = jax.random.uniform(ks[3], (NUM_PRIORS, 2), minval=0.05, maxval=0.95)
    wh = jax.random.uniform(ks[4], (NUM_PRIORS, 2), minval=0.05, maxval=0.4)
    priors = jnp.concatenate([cxy, wh], axis=1).astype(jnp.float32)
    t_cxy = jax.random.uniform(ks[5], (BATCH, NUM_OBJS, 2), minval=0.2, maxval=0.8)
    t_wh = jax.random.uniform(ks[6], (BATCH, NUM_OBJS, 2), minval=0.05, maxval=0.3)
    t_min = jnp.clip(t_cxy - t_wh / 2.0, 0.0, 1.0)
    t_max = jnp.clip(t_cxy + t_wh / 2.0, 0.0, 1.0)
    labels = jax.random.randint(ks[7], (BATCH, NUM_OBJS, 1), 0, NUM_CLASSES - 1).astype(jnp.float32)
    ious = jax.random.uniform(ks[8], (BATCH, NUM_OBJS, 1))
    ious = jnp.where(jax.random.uniform(ks[9], (BATCH, NUM_OBJS, 1)) < 0.1, -1.0, ious)
    targets = jnp.concatenate([t_min, t_max, labels, ious], axis=2).astype(jnp.float32)
    return {"loc_data": loc_data, "conf_data": conf_data, "occluded_data": occluded_data,
            "targets": targets, "priors": priors}


def reference(loc_data, conf_data, occluded_data, targets, priors):
    num = loc_data.shape[0]
    num_priors = priors.shape[0]
    truths = targets[:, :, :4]
    labels = targets[:, :, 4]
    ious = targets[:, :, 5]
    loc_t, conf_t, occluded_t = jax.vmap(match_one, in_axes=(0, 0, 0, None))(truths, labels, ious, priors)
    loc_t = jax.lax.stop_gradient(loc_t)
    conf_t = jax.lax.stop_gradient(conf_t)
    occluded_t = jax.lax.stop_gradient(occluded_t)
    pos = conf_t > 0  # [B, P]
    pos_f = pos.astype(jnp.float32)
    # localization smooth-L1, summed over matched priors
    diff = loc_data - loc_t
    ad = jnp.abs(diff)
    sl1 = jnp.where(ad < 1.0, 0.5 * diff * diff, ad - 0.5)
    loss_l = jnp.sum(sl1 * pos_f[..., None])
    # occlusion/iou MSE with ignore flag -1 (in-place overwrite kills grad there)
    iou_p = jnp.where(occluded_t == -1.0, -1.0, occluded_data)
    loss_o = jnp.sum(((iou_p - occluded_t) ** 2) * pos_f[..., None])
    # confidence loss with hard negative mining
    batch_conf = conf_data.reshape(-1, NUM_CLASSES)
    lse = jax.nn.logsumexp(batch_conf, axis=1)
    gathered = jnp.take_along_axis(batch_conf, conf_t.reshape(-1, 1), axis=1)[:, 0]
    ce = (lse - gathered).reshape(num, num_priors)
    loss_c_mine = jax.lax.stop_gradient(jnp.where(pos, 0.0, ce))
    loss_idx = jnp.argsort(-loss_c_mine, axis=1)
    idx_rank = jnp.argsort(loss_idx, axis=1)
    num_pos = jnp.sum(pos.astype(jnp.int32), axis=1, keepdims=True)
    num_neg = jnp.minimum(NEGPOS_RATIO * num_pos, num_priors - 1)
    neg = idx_rank < num_neg
    sel = (pos | neg).astype(jnp.float32)
    loss_c = jnp.sum(ce * sel)
    N = jnp.sum(num_pos).astype(jnp.float32)
    return (loss_l / N, loss_c / N, loss_o / N)

if __name__ == "__main__":
    import jax
    _d = setup_inputs()
    print(jax.jit(kernel)(*tuple(_d.values())))

</pallas_src>

<mosaic_0001>
module attributes {stable_mosaic.version = 14 : i64} {
  func.func @_mbl_kernel(%arg0: i32, %arg1: memref<1x4x8x3072xf32, #tpu.memory_space<vmem>>, %arg2: memref<1x21x8x3072xf32, #tpu.memory_space<vmem>>, %arg3: memref<1x1x8x3072xf32, #tpu.memory_space<vmem>>, %arg4: memref<4x8x3072xf32, #tpu.memory_space<vmem>>, %arg5: memref<1x6x10xf32, #tpu.memory_space<vmem>>, %arg6: memref<1x1x128xf32, #tpu.memory_space<vmem>>) attributes {dimension_semantics = [#tpu.dimension_semantics<arbitrary>], iteration_bounds = array<i64: 32>, scalar_prefetch = 0 : i64, scratch_operands = 0 : i64, tpu.core_type = #tpu.core_type<tc>, window_params = [{transform_indices = @transform_0, window_bounds = array<i64: 1, 4, 8, 3072>}, {transform_indices = @transform_1, window_bounds = array<i64: 1, 21, 8, 3072>}, {transform_indices = @transform_2, window_bounds = array<i64: 1, 1, 8, 3072>}, {pipeline_mode = #tpu.pipeline_mode<synchronous>, transform_indices = @transform_3, window_bounds = array<i64: 4, 8, 3072>}, {transform_indices = @transform_4, window_bounds = array<i64: 1, 6, 10>}, {transform_indices = @transform_5, window_bounds = array<i64: 1, 1, 128>}]} {
    %iota3A = tpu.iota {dimensions = array<i32: 0>} : vector<8x3072xi32>
    %iota3A_0 = tpu.iota {dimensions = array<i32: 1>} : vector<8x3072xi32>
    %mul3A = arith.constant 3072 : i32
    %mul3A_1 = vector.broadcast %mul3A : i32 to vector<8x3072xi32>
    %mul3A_2 = arith.muli %iota3A, %mul3A_1 : vector<8x3072xi32>
    %add3A = arith.addi %mul3A_2, %iota3A_0 : vector<8x3072xi32>
    %lt3A = arith.constant 24564 : i32
    %lt3A_3 = vector.broadcast %lt3A : i32 to vector<8x3072xi32>
    %lt3A_4 = arith.cmpi slt, %add3A, %lt3A_3 : vector<8x3072xi32>
    %get3A = arith.constant 0 : index
    %get3A_5 = arith.constant 0 : index
    %get3A_6 = arith.constant 0 : index
    %get3A_7 = vector.load %arg4[%get3A, %get3A_5, %get3A_6] : memref<4x8x3072xf32, #tpu.memory_space<vmem>>, vector<1x8x3072xf32>
    %get3A_8 = vector.shape_cast %get3A_7 : vector<1x8x3072xf32> to vector<8x3072xf32>
    %get3A_9 = arith.constant 1 : index
    %get3A_10 = arith.constant 0 : index
    %get3A_11 = arith.constant 0 : index
    %get3A_12 = vector.load %arg4[%get3A_9, %get3A_10, %get3A_11] : memref<4x8x3072xf32, #tpu.memory_space<vmem>>, vector<1x8x3072xf32>
    %get3A_13 = vector.shape_cast %get3A_12 : vector<1x8x3072xf32> to vector<8x3072xf32>
    %get3A_14 = arith.constant 2 : index
    %get3A_15 = arith.constant 0 : index
    %get3A_16 = arith.constant 0 : index
    %get3A_17 = vector.load %arg4[%get3A_14, %get3A_15, %get3A_16] : memref<4x8x3072xf32, #tpu.memory_space<vmem>>, vector<1x8x3072xf32>
    %get3A_18 = vector.shape_cast %get3A_17 : vector<1x8x3072xf32> to vector<8x3072xf32>
    %get3A_19 = arith.constant 3 : index
    %get3A_20 = arith.constant 0 : index
    %get3A_21 = arith.constant 0 : index
    %get3A_22 = vector.load %arg4[%get3A_19, %get3A_20, %get3A_21] : memref<4x8x3072xf32, #tpu.memory_space<vmem>>, vector<1x8x3072xf32>
    %get3A_23 = vector.shape_cast %get3A_22 : vector<1x8x3072xf32> to vector<8x3072xf32>
    %mul3A_24 = arith.constant 5.000000e-01 : f32
    %mul3A_25 = vector.broadcast %mul3A_24 : f32 to vector<8x3072xf32>
    %mul3A_26 = arith.mulf %get3A_18, %mul3A_25 : vector<8x3072xf32>
    %sub3A = arith.subf %get3A_8, %mul3A_26 : vector<8x3072xf32>
    %mul3A_27 = arith.constant 5.000000e-01 : f32
    %mul3A_28 = vector.broadcast %mul3A_27 : f32 to vector<8x3072xf32>
    %mul3A_29 = arith.mulf %get3A_23, %mul3A_28 : vector<8x3072xf32>
    %sub3A_30 = arith.subf %get3A_13, %mul3A_29 : vector<8x3072xf32>
    %mul3A_31 = arith.constant 5.000000e-01 : f32
    %mul3A_32 = vector.broadcast %mul3A_31 : f32 to vector<8x3072xf32>
    %mul3A_33 = arith.mulf %get3A_18, %mul3A_32 : vector<8x3072xf32>
    %add3A_34 = arith.addf %get3A_8, %mul3A_33 : vector<8x3072xf32>
    %mul3A_35 = arith.constant 5.000000e-01 : f32
    %mul3A_36 = vector.broadcast %mul3A_35 : f32 to vector<8x3072xf32>
    %mul3A_37 = arith.mulf %get3A_23, %mul3A_36 : vector<8x3072xf32>
    %add3A_38 = arith.addf %get3A_13, %mul3A_37 : vector<8x3072xf32>
    %sub3A_39 = arith.subf %add3A_34, %sub3A : vector<8x3072xf32>
    %sub3A_40 = arith.subf %add3A_38, %sub3A_30 : vector<8x3072xf32>
    %mul3A_41 = arith.mulf %sub3A_39, %sub3A_40 : vector<8x3072xf32>
    %get3A_42 = arith.constant 0 : index
    %get3A_43 = arith.constant 0 : index
    %get3A_44 = arith.constant 0 : index
    %get3A_45 = vector.load %arg5[%get3A_42, %get3A_43, %get3A_44] : memref<1x6x10xf32, #tpu.memory_space<vmem>>, vector<1x6x10xf32>
    %get3A_46 = vector.shape_cast %get3A_45 : vector<1x6x10xf32> to vector<6x10xf32>
    %broadcast_in_dim3A = arith.constant -2.000000e+00 : f32
    %broadcast_in_dim3A_47 = vector.broadcast %broadcast_in_dim3A : f32 to vector<8x3072xf32>
    %broadcast_in_dim3A_48 = arith.constant 0 : i32
    %broadcast_in_dim3A_49 = vector.broadcast %broadcast_in_dim3A_48 : i32 to vector<8x3072xi32>
    %slice3A = vector.extract_strided_slice %get3A_46 {offsets = [0, 0], sizes = [1, 1], strides = [1, 1]} : vector<6x10xf32> to vector<1x1xf32>
    %squeeze3A = vector.extract %slice3A[0, 0] : f32 from vector<1x1xf32>
    %slice3A_50 = vector.extract_strided_slice %get3A_46 {offsets = [1, 0], sizes = [1, 1], strides = [1, 1]} : vector<6x10xf32> to vector<1x1xf32>
    %squeeze3A_51 = vector.extract %slice3A_50[0, 0] : f32 from vector<1x1xf32>
    %slice3A_52 = vector.extract_strided_slice %get3A_46 {offsets = [2, 0], sizes = [1, 1], strides = [1, 1]} : vector<6x10xf32> to vector<1x1xf32>
    %squeeze3A_53 = vector.extract %slice3A_52[0, 0] : f32 from vector<1x1xf32>
    %slice3A_54 = vector.extract_strided_slice %get3A_46 {offsets = [3, 0], sizes = [1, 1], strides = [1, 1]} : vector<6x10xf32> to vector<1x1xf32>
    %squeeze3A_55 = vector.extract %slice3A_54[0, 0] : f32 from vector<1x1xf32>
    %min3A = vector.broadcast %squeeze3A_53 : f32 to vector<8x3072xf32>
    %min3A_56 = arith.minimumf %add3A_34, %min3A : vector<8x3072xf32>
    %max3A = vector.broadcast %squeeze3A : f32 to vector<8x3072xf32>
    %max3A_57 = arith.maximumf %sub3A, %max3A : vector<8x3072xf32>
    %sub3A_58 = arith.subf %min3A_56, %max3A_57 : vector<8x3072xf32>
    %max3A_59 = arith.constant 0.000000e+00 : f32
    %max3A_60 = vector.broadcast %max3A_59 : f32 to vector<8x3072xf32>
    %max3A_61 = arith.maximumf %sub3A_58, %max3A_60 : vector<8x3072xf32>
    %min3A_62 = vector.broadcast %squeeze3A_55 : f32 to vector<8x3072xf32>
    %min3A_63 = arith.minimumf %add3A_38, %min3A_62 : vector<8x3072xf32>
    %max3A_64 = vector.broadcast %squeeze3A_51 : f32 to vector<8x3072xf32>
    %max3A_65 = arith.maximumf %sub3A_30, %max3A_64 : vector<8x3072xf32>
    %sub3A_66 = arith.subf %min3A_63, %max3A_65 : vector<8x3072xf32>
    %max3A_67 = arith.constant 0.000000e+00 : f32
    %max3A_68 = vector.broadcast %max3A_67 : f32 to vector<8x3072xf32>
    %max3A_69 = arith.maximumf %sub3A_66, %max3A_68 : vector<8x3072xf32>
    %mul3A_70 = arith.mulf %max3A_61, %max3A_69 : vector<8x3072xf32>
    %sub3A_71 = arith.subf %squeeze3A_53, %squeeze3A : f32
    %sub3A_72 = arith.subf %squeeze3A_55, %squeeze3A_51 : f32
    %mul3A_73 = arith.mulf %sub3A_71, %sub3A_72 : f32
    %add3A_74 = vector.broadcast %mul3A_73 : f32 to vector<8x3072xf32>
    %add3A_75 = arith.addf %add3A_74, %mul3A_41 : vector<8x3072xf32>
    %sub3A_76 = arith.subf %add3A_75, %mul3A_70 : vector<8x3072xf32>
    %div3A = arith.divf %mul3A_70, %sub3A_76 : vector<8x3072xf32>
    %jit3A = arith.constant -1.000000e+00 : f32
    %broadcast_in_dim3A_77 = vector.broadcast %jit3A : f32 to vector<8x3072xf32>
    %select_n3A = arith.select %lt3A_4, %div3A, %broadcast_in_dim3A_77 : vector<8x3072xi1>, vector<8x3072xf32>
    %reduce_max3A = vector.shape_cast %select_n3A : vector<8x3072xf32> to vector<1x8x3072xf32>
    %reduce_max3A_78 = arith.constant dense<0xFF800000> : vector<1xf32>
    %reduce_max3A_79 = vector.multi_reduction <maximumf>, %reduce_max3A, %reduce_max3A_78 [1, 2] : vector<1x8x3072xf32> to vector<1xf32>
    %reduce_max3A_80 = vector.shape_cast %reduce_max3A_79 : vector<1xf32> to vector<1x1x1xf32>
    %reduce_max3A_81 = vector.extract %reduce_max3A_80[0, 0, 0] : f32 from vector<1x1x1xf32>
    %eq3A = vector.broadcast %reduce_max3A_81 : f32 to vector<8x3072xf32>
    %eq3A_82 = arith.cmpf oeq, %select_n3A, %eq3A : vector<8x3072xf32>
    %jit3A_83 = arith.constant 24564 : i32
    %broadcast_in_dim3A_84 = vector.broadcast %jit3A_83 : i32 to vector<8x3072xi32>
    %select_n3A_85 = arith.select %eq3A_82, %add3A, %broadcast_in_dim3A_84 : vector<8x3072xi1>, vector<8x3072xi32>
    %reduce_min3A = vector.shape_cast %select_n3A_85 : vector<8x3072xi32> to vector<1x8x3072xi32>
    %reduce_min3A_86 = arith.constant dense<2147483647> : vector<1xi32>
    %reduce_min3A_87 = vector.multi_reduction <minsi>, %reduce_min3A, %reduce_min3A_86 [1, 2] : vector<1x8x3072xi32> to vector<1xi32>
    %reduce_min3A_88 = vector.shape_cast %reduce_min3A_87 : vector<1xi32> to vector<1x1x1xi32>
    %reduce_min3A_89 = vector.extract %reduce_min3A_88[0, 0, 0] : i32 from vector<1x1x1xi32>
    %gt3A = arith.cmpf ogt, %select_n3A, %broadcast_in_dim3A_47 : vector<8x3072xf32>
    %select_n3A_90 = arith.select %gt3A, %select_n3A, %broadcast_in_dim3A_47 : vector<8x3072xi1>, vector<8x3072xf32>
    %jit3A_91 = arith.constant 0 : i32
    %broadcast_in_dim3A_92 = vector.broadcast %jit3A_91 : i32 to vector<8x3072xi32>
    %select_n3A_93 = arith.select %gt3A, %broadcast_in_dim3A_92, %broadcast_in_dim3A_49 : vector<8x3072xi1>, vector<8x3072xi32>
    %slice3A_94 = vector.extract_strided_slice %get3A_46 {offsets = [0, 1], sizes = [1, 1], strides = [1, 1]} : vector<6x10xf32> to vector<1x1xf32>
    %squeeze3A_95 = vector.extract %slice3A_94[0, 0] : f32 from vector<1x1xf32>
    %slice3A_96 = vector.extract_strided_slice %get3A_46 {offsets = [1, 1], sizes = [1, 1], strides = [1, 1]} : vector<6x10xf32> to vector<1x1xf32>
    %squeeze3A_97 = vector.extract %slice3A_96[0, 0] : f32 from vector<1x1xf32>
    %slice3A_98 = vector.extract_strided_slice %get3A_46 {offsets = [2, 1], sizes = [1, 1], strides = [1, 1]} : vector<6x10xf32> to vector<1x1xf32>
    %squeeze3A_99 = vector.extract %slice3A_98[0, 0] : f32 from vector<1x1xf32>
    %slice3A_100 = vector.extract_strided_slice %get3A_46 {offsets = [3, 1], sizes = [1, 1], strides = [1, 1]} : vector<6x10xf32> to vector<1x1xf32>
    %squeeze3A_101 = vector.extract %slice3A_100[0, 0] : f32 from vector<1x1xf32>
    %min3A_102 = vector.broadcast %squeeze3A_99 : f32 to vector<8x3072xf32>
    %min3A_103 = arith.minimumf %add3A_34, %min3A_102 : vector<8x3072xf32>
    %max3A_104 = vector.broadcast %squeeze3A_95 : f32 to vector<8x3072xf32>
    %max3A_105 = arith.maximumf %sub3A, %max3A_104 : vector<8x3072xf32>
    %sub3A_106 = arith.subf %min3A_103, %max3A_105 : vector<8x3072xf32>
    %max3A_107 = arith.constant 0.000000e+00 : f32
    %max3A_108 = vector.broadcast %max3A_107 : f32 to vector<8x3072xf32>
    %max3A_109 = arith.maximumf %sub3A_106, %max3A_108 : vector<8x3072xf32>
    %min3A_110 = vector.broadcast %squeeze3A_101 : f32 to vector<8x3072xf32>
    %min3A_111 = arith.minimumf %add3A_38, %min3A_110 : vector<8x3072xf32>
    %max3A_112 = vector.broadcast %squeeze3A_97 : f32 to vector<8x3072xf32>
    %max3A_113 = arith.maximumf %sub3A_30, %max3A_112 : vector<8x3072xf32>
    %sub3A_114 = arith.subf %min3A_111, %max3A_113 : vector<8x3072xf32>
    %max3A_115 = arith.constant 0.000000e+00 : f32
    %max3A_116 = vector.broadcast %max3A_115 : f32 to vector<8x3072xf32>
    %max3A_117 = arith.maximumf %sub3A_114, %max3A_116 : vector<8x3072xf32>
    %mul3A_118 = arith.mulf %max3A_109, %max3A_117 : vector<8x3072xf32>
    %sub3A_119 = arith.subf %squeeze3A_99, %squeeze3A_95 : f32
    %sub3A_120 = arith.subf %squeeze3A_101, %squeeze3A_97 : f32
    %mul3A_121 = arith.mulf %sub3A_119, %sub3A_120 : f32
    %add3A_122 = vector.broadcast %mul3A_121 : f32 to vector<8x3072xf32>
    %add3A_123 = arith.addf %add3A_122, %mul3A_41 : vector<8x3072xf32>
    %sub3A_124 = arith.subf %add3A_123, %mul3A_118 : vector<8x3072xf32>
    %div3A_125 = arith.divf %mul3A_118, %sub3A_124 : vector<8x3072xf32>
    %jit3A_126 = arith.constant -1.000000e+00 : f32
    %broadcast_in_dim3A_127 = vector.broadcast %jit3A_126 : f32 to vector<8x3072xf32>
    %select_n3A_128 = arith.select %lt3A_4, %div3A_125, %broadcast_in_dim3A_127 : vector<8x3072xi1>, vector<8x3072xf32>
    %reduce_max3A_129 = vector.shape_cast %select_n3A_128 : vector<8x3072xf32> to vector<1x8x3072xf32>
    %reduce_max3A_130 = arith.constant dense<0xFF800000> : vector<1xf32>
    %reduce_max3A_131 = vector.multi_reduction <maximumf>, %reduce_max3A_129, %reduce_max3A_130 [1, 2] : vector<1x8x3072xf32> to vector<1xf32>
    %reduce_max3A_132 = vector.shape_cast %reduce_max3A_131 : vector<1xf32> to vector<1x1x1xf32>
    %reduce_max3A_133 = vector.extract %reduce_max3A_132[0, 0, 0] : f32 from vector<1x1x1xf32>
    %eq3A_134 = vector.broadcast %reduce_max3A_133 : f32 to vector<8x3072xf32>
    %eq3A_135 = arith.cmpf oeq, %select_n3A_128, %eq3A_134 : vector<8x3072xf32>
    %jit3A_136 = arith.constant 24564 : i32
    %broadcast_in_dim3A_137 = vector.broadcast %jit3A_136 : i32 to vector<8x3072xi32>
    %select_n3A_138 = arith.select %eq3A_135, %add3A, %broadcast_in_dim3A_137 : vector<8x3072xi1>, vector<8x3072xi32>
    %reduce_min3A_139 = vector.shape_cast %select_n3A_138 : vector<8x3072xi32> to vector<1x8x3072xi32>
    %reduce_min3A_140 = arith.constant dense<2147483647> : vector<1xi32>
    %reduce_min3A_141 = vector.multi_reduction <minsi>, %reduce_min3A_139, %reduce_min3A_140 [1, 2] : vector<1x8x3072xi32> to vector<1xi32>
    %reduce_min3A_142 = vector.shape_cast %reduce_min3A_141 : vector<1xi32> to vector<1x1x1xi32>
    %reduce_min3A_143 = vector.extract %reduce_min3A_142[0, 0, 0] : i32 from vector<1x1x1xi32>
    %gt3A_144 = arith.cmpf ogt, %select_n3A_128, %select_n3A_90 : vector<8x3072xf32>
    %select_n3A_145 = arith.select %gt3A_144, %select_n3A_128, %select_n3A_90 : vector<8x3072xi1>, vector<8x3072xf32>
    %jit3A_146 = arith.constant 1 : i32
    %broadcast_in_dim3A_147 = vector.broadcast %jit3A_146 : i32 to vector<8x3072xi32>
    %select_n3A_148 = arith.select %gt3A_144, %broadcast_in_dim3A_147, %select_n3A_93 : vector<8x3072xi1>, vector<8x3072xi32>
    %slice3A_149 = vector.extract_strided_slice %get3A_46 {offsets = [0, 2], sizes = [1, 1], strides = [1, 1]} : vector<6x10xf32> to vector<1x1xf32>
    %squeeze3A_150 = vector.extract %slice3A_149[0, 0] : f32 from vector<1x1xf32>
    %slice3A_151 = vector.extract_strided_slice %get3A_46 {offsets = [1, 2], sizes = [1, 1], strides = [1, 1]} : vector<6x10xf32> to vector<1x1xf32>
    %squeeze3A_152 = vector.extract %slice3A_151[0, 0] : f32 from vector<1x1xf32>
    %slice3A_153 = vector.extract_strided_slice %get3A_46 {offsets = [2, 2], sizes = [1, 1], strides = [1, 1]} : vector<6x10xf32> to vector<1x1xf32>
    %squeeze3A_154 = vector.extract %slice3A_153[0, 0] : f32 from vector<1x1xf32>
    %slice3A_155 = vector.extract_strided_slice %get3A_46 {offsets = [3, 2], sizes = [1, 1], strides = [1, 1]} : vector<6x10xf32> to vector<1x1xf32>
    %squeeze3A_156 = vector.extract %slice3A_155[0, 0] : f32 from vector<1x1xf32>
    %min3A_157 = vector.broadcast %squeeze3A_154 : f32 to vector<8x3072xf32>
    %min3A_158 = arith.minimumf %add3A_34, %min3A_157 : vector<8x3072xf32>
    %max3A_159 = vector.broadcast %squeeze3A_150 : f32 to vector<8x3072xf32>
    %max3A_160 = arith.maximumf %sub3A, %max3A_159 : vector<8x3072xf32>
    %sub3A_161 = arith.subf %min3A_158, %max3A_160 : vector<8x3072xf32>
    %max3A_162 = arith.constant 0.000000e+00 : f32
    %max3A_163 = vector.broadcast %max3A_162 : f32 to vector<8x3072xf32>
    %max3A_164 = arith.maximumf %sub3A_161, %max3A_163 : vector<8x3072xf32>
    %min3A_165 = vector.broadcast %squeeze3A_156 : f32 to vector<8x3072xf32>
    %min3A_166 = arith.minimumf %add3A_38, %min3A_165 : vector<8x3072xf32>
    %max3A_167 = vector.broadcast %squeeze3A_152 : f32 to vector<8x3072xf32>
    %max3A_168 = arith.maximumf %sub3A_30, %max3A_167 : vector<8x3072xf32>
    %sub3A_169 = arith.subf %min3A_166, %max3A_168 : vector<8x3072xf32>
    %max3A_170 = arith.constant 0.000000e+00 : f32
    %max3A_171 = vector.broadcast %max3A_170 : f32 to vector<8x3072xf32>
    %max3A_172 = arith.maximumf %sub3A_169, %max3A_171 : vector<8x3072xf32>
    %mul3A_173 = arith.mulf %max3A_164, %max3A_172 : vector<8x3072xf32>
    %sub3A_174 = arith.subf %squeeze3A_154, %squeeze3A_150 : f32
    %sub3A_175 = arith.subf %squeeze3A_156, %squeeze3A_152 : f32
    %mul3A_176 = arith.mulf %sub3A_174, %sub3A_175 : f32
    %add3A_177 = vector.broadcast %mul3A_176 : f32 to vector<8x3072xf32>
    %add3A_178 = arith.addf %add3A_177, %mul3A_41 : vector<8x3072xf32>
    %sub3A_179 = arith.subf %add3A_178, %mul3A_173 : vector<8x3072xf32>
    %div3A_180 = arith.divf %mul3A_173, %sub3A_179 : vector<8x3072xf32>
    %jit3A_181 = arith.constant -1.000000e+00 : f32
    %broadcast_in_dim3A_182 = vector.broadcast %jit3A_181 : f32 to vector<8x3072xf32>
    %select_n3A_183 = arith.select %lt3A_4, %div3A_180, %broadcast_in_dim3A_182 : vector<8x3072xi1>, vector<8x3072xf32>
    %reduce_max3A_184 = vector.shape_cast %select_n3A_183 : vector<8x3072xf32> to vector<1x8x3072xf32>
    %reduce_max3A_185 = arith.constant dense<0xFF800000> : vector<1xf32>
    %reduce_max3A_186 = vector.multi_reduction <maximumf>, %reduce_max3A_184, %reduce_max3A_185 [1, 2] : vector<1x8x3072xf32> to vector<1xf32>
    %reduce_max3A_187 = vector.shape_cast %reduce_max3A_186 : vector<1xf32> to vector<1x1x1xf32>
    %reduce_max3A_188 = vector.extract %reduce_max3A_187[0, 0, 0] : f32 from vector<1x1x1xf32>
    %eq3A_189 = vector.broadcast %reduce_max3A_188 : f32 to vector<8x3072xf32>
    %eq3A_190 = arith.cmpf oeq, %select_n3A_183, %eq3A_189 : vector<8x3072xf32>
    %jit3A_191 = arith.constant 24564 : i32
    %broadcast_in_dim3A_192 = vector.broadcast %jit3A_191 : i32 to vector<8x3072xi32>
    %select_n3A_193 = arith.select %eq3A_190, %add3A, %broadcast_in_dim3A_192 : vector<8x3072xi1>, vector<8x3072xi32>
    %reduce_min3A_194 = vector.shape_cast %select_n3A_193 : vector<8x3072xi32> to vector<1x8x3072xi32>
    %reduce_min3A_195 = arith.constant dense<2147483647> : vector<1xi32>
    %reduce_min3A_196 = vector.multi_reduction <minsi>, %reduce_min3A_194, %reduce_min3A_195 [1, 2] : vector<1x8x3072xi32> to vector<1xi32>
    %reduce_min3A_197 = vector.shape_cast %reduce_min3A_196 : vector<1xi32> to vector<1x1x1xi32>
    %reduce_min3A_198 = vector.extract %reduce_min3A_197[0, 0, 0] : i32 from vector<1x1x1xi32>
    %gt3A_199 = arith.cmpf ogt, %select_n3A_183, %select_n3A_145 : vector<8x3072xf32>
    %select_n3A_200 = arith.select %gt3A_199, %select_n3A_183, %select_n3A_145 : vector<8x3072xi1>, vector<8x3072xf32>
    %jit3A_201 = arith.constant 2 : i32
    %broadcast_in_dim3A_202 = vector.broadcast %jit3A_201 : i32 to vector<8x3072xi32>
    %select_n3A_203 = arith.select %gt3A_199, %broadcast_in_dim3A_202, %select_n3A_148 : vector<8x3072xi1>, vector<8x3072xi32>
    %slice3A_204 = vector.extract_strided_slice %get3A_46 {offsets = [0, 3], sizes = [1, 1], strides = [1, 1]} : vector<6x10xf32> to vector<1x1xf32>
    %squeeze3A_205 = vector.extract %slice3A_204[0, 0] : f32 from vector<1x1xf32>
    %slice3A_206 = vector.extract_strided_slice %get3A_46 {offsets = [1, 3], sizes = [1, 1], strides = [1, 1]} : vector<6x10xf32> to vector<1x1xf32>
    %squeeze3A_207 = vector.extract %slice3A_206[0, 0] : f32 from vector<1x1xf32>
    %slice3A_208 = vector.extract_strided_slice %get3A_46 {offsets = [2, 3], sizes = [1, 1], strides = [1, 1]} : vector<6x10xf32> to vector<1x1xf32>
    %squeeze3A_209 = vector.extract %slice3A_208[0, 0] : f32 from vector<1x1xf32>
    %slice3A_210 = vector.extract_strided_slice %get3A_46 {offsets = [3, 3], sizes = [1, 1], strides = [1, 1]} : vector<6x10xf32> to vector<1x1xf32>
    %squeeze3A_211 = vector.extract %slice3A_210[0, 0] : f32 from vector<1x1xf32>
    %min3A_212 = vector.broadcast %squeeze3A_209 : f32 to vector<8x3072xf32>
    %min3A_213 = arith.minimumf %add3A_34, %min3A_212 : vector<8x3072xf32>
    %max3A_214 = vector.broadcast %squeeze3A_205 : f32 to vector<8x3072xf32>
    %max3A_215 = arith.maximumf %sub3A, %max3A_214 : vector<8x3072xf32>
    %sub3A_216 = arith.subf %min3A_213, %max3A_215 : vector<8x3072xf32>
    %max3A_217 = arith.constant 0.000000e+00 : f32
    %max3A_218 = vector.broadcast %max3A_217 : f32 to vector<8x3072xf32>
    %max3A_219 = arith.maximumf %sub3A_216, %max3A_218 : vector<8x3072xf32>
    %min3A_220 = vector.broadcast %squeeze3A_211 : f32 to vector<8x3072xf32>
    %min3A_221 = arith.minimumf %add3A_38, %min3A_220 : vector<8x3072xf32>
    %max3A_222 = vector.broadcast %squeeze3A_207 : f32 to vector<8x3072xf32>
    %max3A_223 = arith.maximumf %sub3A_30, %max3A_222 : vector<8x3072xf32>
    %sub3A_224 = arith.subf %min3A_221, %max3A_223 : vector<8x3072xf32>
    %max3A_225 = arith.constant 0.000000e+00 : f32
    %max3A_226 = vector.broadcast %max3A_225 : f32 to vector<8x3072xf32>
    %max3A_227 = arith.maximumf %sub3A_224, %max3A_226 : vector<8x3072xf32>
    %mul3A_228 = arith.mulf %max3A_219, %max3A_227 : vector<8x3072xf32>
    %sub3A_229 = arith.subf %squeeze3A_209, %squeeze3A_205 : f32
    %sub3A_230 = arith.subf %squeeze3A_211, %squeeze3A_207 : f32
    %mul3A_231 = arith.mulf %sub3A_229, %sub3A_230 : f32
    %add3A_232 = vector.broadcast %mul3A_231 : f32 to vector<8x3072xf32>
    %add3A_233 = arith.addf %add3A_232, %mul3A_41 : vector<8x3072xf32>
    %sub3A_234 = arith.subf %add3A_233, %mul3A_228 : vector<8x3072xf32>
    %div3A_235 = arith.divf %mul3A_228, %sub3A_234 : vector<8x3072xf32>
    %jit3A_236 = arith.constant -1.000000e+00 : f32
    %broadcast_in_dim3A_237 = vector.broadcast %jit3A_236 : f32 to vector<8x3072xf32>
    %select_n3A_238 = arith.select %lt3A_4, %div3A_235, %broadcast_in_dim3A_237 : vector<8x3072xi1>, vector<8x3072xf32>
    %reduce_max3A_239 = vector.shape_cast %select_n3A_238 : vector<8x3072xf32> to vector<1x8x3072xf32>
    %reduce_max3A_240 = arith.constant dense<0xFF800000> : vector<1xf32>
    %reduce_max3A_241 = vector.multi_reduction <maximumf>, %reduce_max3A_239, %reduce_max3A_240 [1, 2] : vector<1x8x3072xf32> to vector<1xf32>
    %reduce_max3A_242 = vector.shape_cast %reduce_max3A_241 : vector<1xf32> to vector<1x1x1xf32>
    %reduce_max3A_243 = vector.extract %reduce_max3A_242[0, 0, 0] : f32 from vector<1x1x1xf32>
    %eq3A_244 = vector.broadcast %reduce_max3A_243 : f32 to vector<8x3072xf32>
    %eq3A_245 = arith.cmpf oeq, %select_n3A_238, %eq3A_244 : vector<8x3072xf32>
    %jit3A_246 = arith.constant 24564 : i32
    %broadcast_in_dim3A_247 = vector.broadcast %jit3A_246 : i32 to vector<8x3072xi32>
    %select_n3A_248 = arith.select %eq3A_245, %add3A, %broadcast_in_dim3A_247 : vector<8x3072xi1>, vector<8x3072xi32>
    %reduce_min3A_249 = vector.shape_cast %select_n3A_248 : vector<8x3072xi32> to vector<1x8x3072xi32>
    %reduce_min3A_250 = arith.constant dense<2147483647> : vector<1xi32>
    %reduce_min3A_251 = vector.multi_reduction <minsi>, %reduce_min3A_249, %reduce_min3A_250 [1, 2] : vector<1x8x3072xi32> to vector<1xi32>
    %reduce_min3A_252 = vector.shape_cast %reduce_min3A_251 : vector<1xi32> to vector<1x1x1xi32>
    %reduce_min3A_253 = vector.extract %reduce_min3A_252[0, 0, 0] : i32 from vector<1x1x1xi32>
    %gt3A_254 = arith.cmpf ogt, %select_n3A_238, %select_n3A_200 : vector<8x3072xf32>
    %select_n3A_255 = arith.select %gt3A_254, %select_n3A_238, %select_n3A_200 : vector<8x3072xi1>, vector<8x3072xf32>
    %jit3A_256 = arith.constant 3 : i32
    %broadcast_in_dim3A_257 = vector.broadcast %jit3A_256 : i32 to vector<8x3072xi32>
    %select_n3A_258 = arith.select %gt3A_254, %broadcast_in_dim3A_257, %select_n3A_203 : vector<8x3072xi1>, vector<8x3072xi32>
    %slice3A_259 = vector.extract_strided_slice %get3A_46 {offsets = [0, 4], sizes = [1, 1], strides = [1, 1]} : vector<6x10xf32> to vector<1x1xf32>
    %squeeze3A_260 = vector.extract %slice3A_259[0, 0] : f32 from vector<1x1xf32>
    %slice3A_261 = vector.extract_strided_slice %get3A_46 {offsets = [1, 4], sizes = [1, 1], strides = [1, 1]} : vector<6x10xf32> to vector<1x1xf32>
    %squeeze3A_262 = vector.extract %slice3A_261[0, 0] : f32 from vector<1x1xf32>
    %slice3A_263 = vector.extract_strided_slice %get3A_46 {offsets = [2, 4], sizes = [1, 1], strides = [1, 1]} : vector<6x10xf32> to vector<1x1xf32>
    %squeeze3A_264 = vector.extract %slice3A_263[0, 0] : f32 from vector<1x1xf32>
    %slice3A_265 = vector.extract_strided_slice %get3A_46 {offsets = [3, 4], sizes = [1, 1], strides = [1, 1]} : vector<6x10xf32> to vector<1x1xf32>
    %squeeze3A_266 = vector.extract %slice3A_265[0, 0] : f32 from vector<1x1xf32>
    %min3A_267 = vector.broadcast %squeeze3A_264 : f32 to vector<8x3072xf32>
    %min3A_268 = arith.minimumf %add3A_34, %min3A_267 : vector<8x3072xf32>
    %max3A_269 = vector.broadcast %squeeze3A_260 : f32 to vector<8x3072xf32>
    %max3A_270 = arith.maximumf %sub3A, %max3A_269 : vector<8x3072xf32>
    %sub3A_271 = arith.subf %min3A_268, %max3A_270 : vector<8x3072xf32>
    %max3A_272 = arith.constant 0.000000e+00 : f32
    %max3A_273 = vector.broadcast %max3A_272 : f32 to vector<8x3072xf32>
    %max3A_274 = arith.maximumf %sub3A_271, %max3A_273 : vector<8x3072xf32>
    %min3A_275 = vector.broadcast %squeeze3A_266 : f32 to vector<8x3072xf32>
    %min3A_276 = arith.minimumf %add3A_38, %min3A_275 : vector<8x3072xf32>
    %max3A_277 = vector.broadcast %squeeze3A_262 : f32 to vector<8x3072xf32>
    %max3A_278 = arith.maximumf %sub3A_30, %max3A_277 : vector<8x3072xf32>
    %sub3A_279 = arith.subf %min3A_276, %max3A_278 : vector<8x3072xf32>
    %max3A_280 = arith.constant 0.000000e+00 : f32
    %max3A_281 = vector.broadcast %max3A_280 : f32 to vector<8x3072xf32>
    %max3A_282 = arith.maximumf %sub3A_279, %max3A_281 : vector<8x3072xf32>
    %mul3A_283 = arith.mulf %max3A_274, %max3A_282 : vector<8x3072xf32>
    %sub3A_284 = arith.subf %squeeze3A_264, %squeeze3A_260 : f32
    %sub3A_285 = arith.subf %squeeze3A_266, %squeeze3A_262 : f32
    %mul3A_286 = arith.mulf %sub3A_284, %sub3A_285 : f32
    %add3A_287 = vector.broadcast %mul3A_286 : f32 to vector<8x3072xf32>
    %add3A_288 = arith.addf %add3A_287, %mul3A_41 : vector<8x3072xf32>
    %sub3A_289 = arith.subf %add3A_288, %mul3A_283 : vector<8x3072xf32>
    %div3A_290 = arith.divf %mul3A_283, %sub3A_289 : vector<8x3072xf32>
    %jit3A_291 = arith.constant -1.000000e+00 : f32
    %broadcast_in_dim3A_292 = vector.broadcast %jit3A_291 : f32 to vector<8x3072xf32>
    %select_n3A_293 = arith.select %lt3A_4, %div3A_290, %broadcast_in_dim3A_292 : vector<8x3072xi1>, vector<8x3072xf32>
    %reduce_max3A_294 = vector.shape_cast %select_n3A_293 : vector<8x3072xf32> to vector<1x8x3072xf32>
    %reduce_max3A_295 = arith.constant dense<0xFF800000> : vector<1xf32>
    %reduce_max3A_296 = vector.multi_reduction <maximumf>, %reduce_max3A_294, %reduce_max3A_295 [1, 2] : vector<1x8x3072xf32> to vector<1xf32>
    %reduce_max3A_297 = vector.shape_cast %reduce_max3A_296 : vector<1xf32> to vector<1x1x1xf32>
    %reduce_max3A_298 = vector.extract %reduce_max3A_297[0, 0, 0] : f32 from vector<1x1x1xf32>
    %eq3A_299 = vector.broadcast %reduce_max3A_298 : f32 to vector<8x3072xf32>
    %eq3A_300 = arith.cmpf oeq, %select_n3A_293, %eq3A_299 : vector<8x3072xf32>
    %jit3A_301 = arith.constant 24564 : i32
    %broadcast_in_dim3A_302 = vector.broadcast %jit3A_301 : i32 to vector<8x3072xi32>
    %select_n3A_303 = arith.select %eq3A_300, %add3A, %broadcast_in_dim3A_302 : vector<8x3072xi1>, vector<8x3072xi32>
    %reduce_min3A_304 = vector.shape_cast %select_n3A_303 : vector<8x3072xi32> to vector<1x8x3072xi32>
    %reduce_min3A_305 = arith.constant dense<2147483647> : vector<1xi32>
    %reduce_min3A_306 = vector.multi_reduction <minsi>, %reduce_min3A_304, %reduce_min3A_305 [1, 2] : vector<1x8x3072xi32> to vector<1xi32>
    %reduce_min3A_307 = vector.shape_cast %reduce_min3A_306 : vector<1xi32> to vector<1x1x1xi32>
    %reduce_min3A_308 = vector.extract %reduce_min3A_307[0, 0, 0] : i32 from vector<1x1x1xi32>
    %gt3A_309 = arith.cmpf ogt, %select_n3A_293, %select_n3A_255 : vector<8x3072xf32>
    %select_n3A_310 = arith.select %gt3A_309, %select_n3A_293, %select_n3A_255 : vector<8x3072xi1>, vector<8x3072xf32>
    %jit3A_311 = arith.constant 4 : i32
    %broadcast_in_dim3A_312 = vector.broadcast %jit3A_311 : i32 to vector<8x3072xi32>
    %select_n3A_313 = arith.select %gt3A_309, %broadcast_in_dim3A_312, %select_n3A_258 : vector<8x3072xi1>, vector<8x3072xi32>
    %slice3A_314 = vector.extract_strided_slice %get3A_46 {offsets = [0, 5], sizes = [1, 1], strides = [1, 1]} : vector<6x10xf32> to vector<1x1xf32>
    %squeeze3A_315 = vector.extract %slice3A_314[0, 0] : f32 from vector<1x1xf32>
    %slice3A_316 = vector.extract_strided_slice %get3A_46 {offsets = [1, 5], sizes = [1, 1], strides = [1, 1]} : vector<6x10xf32> to vector<1x1xf32>
    %squeeze3A_317 = vector.extract %slice3A_316[0, 0] : f32 from vector<1x1xf32>
    %slice3A_318 = vector.extract_strided_slice %get3A_46 {offsets = [2, 5], sizes = [1, 1], strides = [1, 1]} : vector<6x10xf32> to vector<1x1xf32>
    %squeeze3A_319 = vector.extract %slice3A_318[0, 0] : f32 from vector<1x1xf32>
    %slice3A_320 = vector.extract_strided_slice %get3A_46 {offsets = [3, 5], sizes = [1, 1], strides = [1, 1]} : vector<6x10xf32> to vector<1x1xf32>
    %squeeze3A_321 = vector.extract %slice3A_320[0, 0] : f32 from vector<1x1xf32>
    %min3A_322 = vector.broadcast %squeeze3A_319 : f32 to vector<8x3072xf32>
    %min3A_323 = arith.minimumf %add3A_34, %min3A_322 : vector<8x3072xf32>
    %max3A_324 = vector.broadcast %squeeze3A_315 : f32 to vector<8x3072xf32>
    %max3A_325 = arith.maximumf %sub3A, %max3A_324 : vector<8x3072xf32>
    %sub3A_326 = arith.subf %min3A_323, %max3A_325 : vector<8x3072xf32>
    %max3A_327 = arith.constant 0.000000e+00 : f32
    %max3A_328 = vector.broadcast %max3A_327 : f32 to vector<8x3072xf32>
    %max3A_329 = arith.maximumf %sub3A_326, %max3A_328 : vector<8x3072xf32>
    %min3A_330 = vector.broadcast %squeeze3A_321 : f32 to vector<8x3072xf32>
    %min3A_331 = arith.minimumf %add3A_38, %min3A_330 : vector<8x3072xf32>
    %max3A_332 = vector.broadcast %squeeze3A_317 : f32 to vector<8x3072xf32>
    %max3A_333 = arith.maximumf %sub3A_30, %max3A_332 : vector<8x3072xf32>
    %sub3A_334 = arith.subf %min3A_331, %max3A_333 : vector<8x3072xf32>
    %max3A_335 = arith.constant 0.000000e+00 : f32
    %max3A_336 = vector.broadcast %max3A_335 : f32 to vector<8x3072xf32>
    %max3A_337 = arith.maximumf %sub3A_334, %max3A_336 : vector<8x3072xf32>
    %mul3A_338 = arith.mulf %max3A_329, %max3A_337 : vector<8x3072xf32>
    %sub3A_339 = arith.subf %squeeze3A_319, %squeeze3A_315 : f32
    %sub3A_340 = arith.subf %squeeze3A_321, %squeeze3A_317 : f32
    %mul3A_341 = arith.mulf %sub3A_339, %sub3A_340 : f32
    %add3A_342 = vector.broadcast %mul3A_341 : f32 to vector<8x3072xf32>
    %add3A_343 = arith.addf %add3A_342, %mul3A_41 : vector<8x3072xf32>
    %sub3A_344 = arith.subf %add3A_343, %mul3A_338 : vector<8x3072xf32>
    %div3A_345 = arith.divf %mul3A_338, %sub3A_344 : vector<8x3072xf32>
    %jit3A_346 = arith.constant -1.000000e+00 : f32
    %broadcast_in_dim3A_347 = vector.broadcast %jit3A_346 : f32 to vector<8x3072xf32>
    %select_n3A_348 = arith.select %lt3A_4, %div3A_345, %broadcast_in_dim3A_347 : vector<8x3072xi1>, vector<8x3072xf32>
    %reduce_max3A_349 = vector.shape_cast %select_n3A_348 : vector<8x3072xf32> to vector<1x8x3072xf32>
    %reduce_max3A_350 = arith.constant dense<0xFF800000> : vector<1xf32>
    %reduce_max3A_351 = vector.multi_reduction <maximumf>, %reduce_max3A_349, %reduce_max3A_350 [1, 2] : vector<1x8x3072xf32> to vector<1xf32>
    %reduce_max3A_352 = vector.shape_cast %reduce_max3A_351 : vector<1xf32> to vector<1x1x1xf32>
    %reduce_max3A_353 = vector.extract %reduce_max3A_352[0, 0, 0] : f32 from vector<1x1x1xf32>
    %eq3A_354 = vector.broadcast %reduce_max3A_353 : f32 to vector<8x3072xf32>
    %eq3A_355 = arith.cmpf oeq, %select_n3A_348, %eq3A_354 : vector<8x3072xf32>
    %jit3A_356 = arith.constant 24564 : i32
    %broadcast_in_dim3A_357 = vector.broadcast %jit3A_356 : i32 to vector<8x3072xi32>
    %select_n3A_358 = arith.select %eq3A_355, %add3A, %broadcast_in_dim3A_357 : vector<8x3072xi1>, vector<8x3072xi32>
    %reduce_min3A_359 = vector.shape_cast %select_n3A_358 : vector<8x3072xi32> to vector<1x8x3072xi32>
    %reduce_min3A_360 = arith.constant dense<2147483647> : vector<1xi32>
    %reduce_min3A_361 = vector.multi_reduction <minsi>, %reduce_min3A_359, %reduce_min3A_360 [1, 2] : vector<1x8x3072xi32> to vector<1xi32>
    %reduce_min3A_362 = vector.shape_cast %reduce_min3A_361 : vector<1xi32> to vector<1x1x1xi32>
    %reduce_min3A_363 = vector.extract %reduce_min3A_362[0, 0, 0] : i32 from vector<1x1x1xi32>
    %gt3A_364 = arith.cmpf ogt, %select_n3A_348, %select_n3A_310 : vector<8x3072xf32>
    %select_n3A_365 = arith.select %gt3A_364, %select_n3A_348, %select_n3A_310 : vector<8x3072xi1>, vector<8x3072xf32>
    %jit3A_366 = arith.constant 5 : i32
    %broadcast_in_dim3A_367 = vector.broadcast %jit3A_366 : i32 to vector<8x3072xi32>
    %select_n3A_368 = arith.select %gt3A_364, %broadcast_in_dim3A_367, %select_n3A_313 : vector<8x3072xi1>, vector<8x3072xi32>
    %slice3A_369 = vector.extract_strided_slice %get3A_46 {offsets = [0, 6], sizes = [1, 1], strides = [1, 1]} : vector<6x10xf32> to vector<1x1xf32>
    %squeeze3A_370 = vector.extract %slice3A_369[0, 0] : f32 from vector<1x1xf32>
    %slice3A_371 = vector.extract_strided_slice %get3A_46 {offsets = [1, 6], sizes = [1, 1], strides = [1, 1]} : vector<6x10xf32> to vector<1x1xf32>
    %squeeze3A_372 = vector.extract %slice3A_371[0, 0] : f32 from vector<1x1xf32>
    %slice3A_373 = vector.extract_strided_slice %get3A_46 {offsets = [2, 6], sizes = [1, 1], strides = [1, 1]} : vector<6x10xf32> to vector<1x1xf32>
    %squeeze3A_374 = vector.extract %slice3A_373[0, 0] : f32 from vector<1x1xf32>
    %slice3A_375 = vector.extract_strided_slice %get3A_46 {offsets = [3, 6], sizes = [1, 1], strides = [1, 1]} : vector<6x10xf32> to vector<1x1xf32>
    %squeeze3A_376 = vector.extract %slice3A_375[0, 0] : f32 from vector<1x1xf32>
    %min3A_377 = vector.broadcast %squeeze3A_374 : f32 to vector<8x3072xf32>
    %min3A_378 = arith.minimumf %add3A_34, %min3A_377 : vector<8x3072xf32>
    %max3A_379 = vector.broadcast %squeeze3A_370 : f32 to vector<8x3072xf32>
    %max3A_380 = arith.maximumf %sub3A, %max3A_379 : vector<8x3072xf32>
    %sub3A_381 = arith.subf %min3A_378, %max3A_380 : vector<8x3072xf32>
    %max3A_382 = arith.constant 0.000000e+00 : f32
    %max3A_383 = vector.broadcast %max3A_382 : f32 to vector<8x3072xf32>
    %max3A_384 = arith.maximumf %sub3A_381, %max3A_383 : vector<8x3072xf32>
    %min3A_385 = vector.broadcast %squeeze3A_376 : f32 to vector<8x3072xf32>
    %min3A_386 = arith.minimumf %add3A_38, %min3A_385 : vector<8x3072xf32>
    %max3A_387 = vector.broadcast %squeeze3A_372 : f32 to vector<8x3072xf32>
    %max3A_388 = arith.maximumf %sub3A_30, %max3A_387 : vector<8x3072xf32>
    %sub3A_389 = arith.subf %min3A_386, %max3A_388 : vector<8x3072xf32>
    %max3A_390 = arith.constant 0.000000e+00 : f32
    %max3A_391 = vector.broadcast %max3A_390 : f32 to vector<8x3072xf32>
    %max3A_392 = arith.maximumf %sub3A_389, %max3A_391 : vector<8x3072xf32>
    %mul3A_393 = arith.mulf %max3A_384, %max3A_392 : vector<8x3072xf32>
    %sub3A_394 = arith.subf %squeeze3A_374, %squeeze3A_370 : f32
    %sub3A_395 = arith.subf %squeeze3A_376, %squeeze3A_372 : f32
    %mul3A_396 = arith.mulf %sub3A_394, %sub3A_395 : f32
    %add3A_397 = vector.broadcast %mul3A_396 : f32 to vector<8x3072xf32>
    %add3A_398 = arith.addf %add3A_397, %mul3A_41 : vector<8x3072xf32>
    %sub3A_399 = arith.subf %add3A_398, %mul3A_393 : vector<8x3072xf32>
    %div3A_400 = arith.divf %mul3A_393, %sub3A_399 : vector<8x3072xf32>
    %jit3A_401 = arith.constant -1.000000e+00 : f32
    %broadcast_in_dim3A_402 = vector.broadcast %jit3A_401 : f32 to vector<8x3072xf32>
    %select_n3A_403 = arith.select %lt3A_4, %div3A_400, %broadcast_in_dim3A_402 : vector<8x3072xi1>, vector<8x3072xf32>
    %reduce_max3A_404 = vector.shape_cast %select_n3A_403 : vector<8x3072xf32> to vector<1x8x3072xf32>
    %reduce_max3A_405 = arith.constant dense<0xFF800000> : vector<1xf32>
    %reduce_max3A_406 = vector.multi_reduction <maximumf>, %reduce_max3A_404, %reduce_max3A_405 [1, 2] : vector<1x8x3072xf32> to vector<1xf32>
    %reduce_max3A_407 = vector.shape_cast %reduce_max3A_406 : vector<1xf32> to vector<1x1x1xf32>
    %reduce_max3A_408 = vector.extract %reduce_max3A_407[0, 0, 0] : f32 from vector<1x1x1xf32>
    %eq3A_409 = vector.broadcast %reduce_max3A_408 : f32 to vector<8x3072xf32>
    %eq3A_410 = arith.cmpf oeq, %select_n3A_403, %eq3A_409 : vector<8x3072xf32>
    %jit3A_411 = arith.constant 24564 : i32
    %broadcast_in_dim3A_412 = vector.broadcast %jit3A_411 : i32 to vector<8x3072xi32>
    %select_n3A_413 = arith.select %eq3A_410, %add3A, %broadcast_in_dim3A_412 : vector<8x3072xi1>, vector<8x3072xi32>
    %reduce_min3A_414 = vector.shape_cast %select_n3A_413 : vector<8x3072xi32> to vector<1x8x3072xi32>
    %reduce_min3A_415 = arith.constant dense<2147483647> : vector<1xi32>
    %reduce_min3A_416 = vector.multi_reduction <minsi>, %reduce_min3A_414, %reduce_min3A_415 [1, 2] : vector<1x8x3072xi32> to vector<1xi32>
    %reduce_min3A_417 = vector.shape_cast %reduce_min3A_416 : vector<1xi32> to vector<1x1x1xi32>
    %reduce_min3A_418 = vector.extract %reduce_min3A_417[0, 0, 0] : i32 from vector<1x1x1xi32>
    %gt3A_419 = arith.cmpf ogt, %select_n3A_403, %select_n3A_365 : vector<8x3072xf32>
    %select_n3A_420 = arith.select %gt3A_419, %select_n3A_403, %select_n3A_365 : vector<8x3072xi1>, vector<8x3072xf32>
    %jit3A_421 = arith.constant 6 : i32
    %broadcast_in_dim3A_422 = vector.broadcast %jit3A_421 : i32 to vector<8x3072xi32>
    %select_n3A_423 = arith.select %gt3A_419, %broadcast_in_dim3A_422, %select_n3A_368 : vector<8x3072xi1>, vector<8x3072xi32>
    %slice3A_424 = vector.extract_strided_slice %get3A_46 {offsets = [0, 7], sizes = [1, 1], strides = [1, 1]} : vector<6x10xf32> to vector<1x1xf32>
    %squeeze3A_425 = vector.extract %slice3A_424[0, 0] : f32 from vector<1x1xf32>
    %slice3A_426 = vector.extract_strided_slice %get3A_46 {offsets = [1, 7], sizes = [1, 1], strides = [1, 1]} : vector<6x10xf32> to vector<1x1xf32>
    %squeeze3A_427 = vector.extract %slice3A_426[0, 0] : f32 from vector<1x1xf32>
    %slice3A_428 = vector.extract_strided_slice %get3A_46 {offsets = [2, 7], sizes = [1, 1], strides = [1, 1]} : vector<6x10xf32> to vector<1x1xf32>
    %squeeze3A_429 = vector.extract %slice3A_428[0, 0] : f32 from vector<1x1xf32>
    %slice3A_430 = vector.extract_strided_slice %get3A_46 {offsets = [3, 7], sizes = [1, 1], strides = [1, 1]} : vector<6x10xf32> to vector<1x1xf32>
    %squeeze3A_431 = vector.extract %slice3A_430[0, 0] : f32 from vector<1x1xf32>
    %min3A_432 = vector.broadcast %squeeze3A_429 : f32 to vector<8x3072xf32>
    %min3A_433 = arith.minimumf %add3A_34, %min3A_432 : vector<8x3072xf32>
    %max3A_434 = vector.broadcast %squeeze3A_425 : f32 to vector<8x3072xf32>
    %max3A_435 = arith.maximumf %sub3A, %max3A_434 : vector<8x3072xf32>
    %sub3A_436 = arith.subf %min3A_433, %max3A_435 : vector<8x3072xf32>
    %max3A_437 = arith.constant 0.000000e+00 : f32
    %max3A_438 = vector.broadcast %max3A_437 : f32 to vector<8x3072xf32>
    %max3A_439 = arith.maximumf %sub3A_436, %max3A_438 : vector<8x3072xf32>
    %min3A_440 = vector.broadcast %squeeze3A_431 : f32 to vector<8x3072xf32>
    %min3A_441 = arith.minimumf %add3A_38, %min3A_440 : vector<8x3072xf32>
    %max3A_442 = vector.broadcast %squeeze3A_427 : f32 to vector<8x3072xf32>
    %max3A_443 = arith.maximumf %sub3A_30, %max3A_442 : vector<8x3072xf32>
    %sub3A_444 = arith.subf %min3A_441, %max3A_443 : vector<8x3072xf32>
    %max3A_445 = arith.constant 0.000000e+00 : f32
    %max3A_446 = vector.broadcast %max3A_445 : f32 to vector<8x3072xf32>
    %max3A_447 = arith.maximumf %sub3A_444, %max3A_446 : vector<8x3072xf32>
    %mul3A_448 = arith.mulf %max3A_439, %max3A_447 : vector<8x3072xf32>
    %sub3A_449 = arith.subf %squeeze3A_429, %squeeze3A_425 : f32
    %sub3A_450 = arith.subf %squeeze3A_431, %squeeze3A_427 : f32
    %mul3A_451 = arith.mulf %sub3A_449, %sub3A_450 : f32
    %add3A_452 = vector.broadcast %mul3A_451 : f32 to vector<8x3072xf32>
    %add3A_453 = arith.addf %add3A_452, %mul3A_41 : vector<8x3072xf32>
    %sub3A_454 = arith.subf %add3A_453, %mul3A_448 : vector<8x3072xf32>
    %div3A_455 = arith.divf %mul3A_448, %sub3A_454 : vector<8x3072xf32>
    %jit3A_456 = arith.constant -1.000000e+00 : f32
    %broadcast_in_dim3A_457 = vector.broadcast %jit3A_456 : f32 to vector<8x3072xf32>
    %select_n3A_458 = arith.select %lt3A_4, %div3A_455, %broadcast_in_dim3A_457 : vector<8x3072xi1>, vector<8x3072xf32>
    %reduce_max3A_459 = vector.shape_cast %select_n3A_458 : vector<8x3072xf32> to vector<1x8x3072xf32>
    %reduce_max3A_460 = arith.constant dense<0xFF800000> : vector<1xf32>
    %reduce_max3A_461 = vector.multi_reduction <maximumf>, %reduce_max3A_459, %reduce_max3A_460 [1, 2] : vector<1x8x3072xf32> to vector<1xf32>
    %reduce_max3A_462 = vector.shape_cast %reduce_max3A_461 : vector<1xf32> to vector<1x1x1xf32>
    %reduce_max3A_463 = vector.extract %reduce_max3A_462[0, 0, 0] : f32 from vector<1x1x1xf32>
    %eq3A_464 = vector.broadcast %reduce_max3A_463 : f32 to vector<8x3072xf32>
    %eq3A_465 = arith.cmpf oeq, %select_n3A_458, %eq3A_464 : vector<8x3072xf32>
    %jit3A_466 = arith.constant 24564 : i32
    %broadcast_in_dim3A_467 = vector.broadcast %jit3A_466 : i32 to vector<8x3072xi32>
    %select_n3A_468 = arith.select %eq3A_465, %add3A, %broadcast_in_dim3A_467 : vector<8x3072xi1>, vector<8x3072xi32>
    %reduce_min3A_469 = vector.shape_cast %select_n3A_468 : vector<8x3072xi32> to vector<1x8x3072xi32>
    %reduce_min3A_470 = arith.constant dense<2147483647> : vector<1xi32>
    %reduce_min3A_471 = vector.multi_reduction <minsi>, %reduce_min3A_469, %reduce_min3A_470 [1, 2] : vector<1x8x3072xi32> to vector<1xi32>
    %reduce_min3A_472 = vector.shape_cast %reduce_min3A_471 : vector<1xi32> to vector<1x1x1xi32>
    %reduce_min3A_473 = vector.extract %reduce_min3A_472[0, 0, 0] : i32 from vector<1x1x1xi32>
    %gt3A_474 = arith.cmpf ogt, %select_n3A_458, %select_n3A_420 : vector<8x3072xf32>
    %select_n3A_475 = arith.select %gt3A_474, %select_n3A_458, %select_n3A_420 : vector<8x3072xi1>, vector<8x3072xf32>
    %jit3A_476 = arith.constant 7 : i32
    %broadcast_in_dim3A_477 = vector.broadcast %jit3A_476 : i32 to vector<8x3072xi32>
    %select_n3A_478 = arith.select %gt3A_474, %broadcast_in_dim3A_477, %select_n3A_423 : vector<8x3072xi1>, vector<8x3072xi32>
    %slice3A_479 = vector.extract_strided_slice %get3A_46 {offsets = [0, 8], sizes = [1, 1], strides = [1, 1]} : vector<6x10xf32> to vector<1x1xf32>
    %squeeze3A_480 = vector.extract %slice3A_479[0, 0] : f32 from vector<1x1xf32>
    %slice3A_481 = vector.extract_strided_slice %get3A_46 {offsets = [1, 8], sizes = [1, 1], strides = [1, 1]} : vector<6x10xf32> to vector<1x1xf32>
    %squeeze3A_482 = vector.extract %slice3A_481[0, 0] : f32 from vector<1x1xf32>
    %slice3A_483 = vector.extract_strided_slice %get3A_46 {offsets = [2, 8], sizes = [1, 1], strides = [1, 1]} : vector<6x10xf32> to vector<1x1xf32>
    %squeeze3A_484 = vector.extract %slice3A_483[0, 0] : f32 from vector<1x1xf32>
    %slice3A_485 = vector.extract_strided_slice %get3A_46 {offsets = [3, 8], sizes = [1, 1], strides = [1, 1]} : vector<6x10xf32> to vector<1x1xf32>
    %squeeze3A_486 = vector.extract %slice3A_485[0, 0] : f32 from vector<1x1xf32>
    %min3A_487 = vector.broadcast %squeeze3A_484 : f32 to vector<8x3072xf32>
    %min3A_488 = arith.minimumf %add3A_34, %min3A_487 : vector<8x3072xf32>
    %max3A_489 = vector.broadcast %squeeze3A_480 : f32 to vector<8x3072xf32>
    %max3A_490 = arith.maximumf %sub3A, %max3A_489 : vector<8x3072xf32>
    %sub3A_491 = arith.subf %min3A_488, %max3A_490 : vector<8x3072xf32>
    %max3A_492 = arith.constant 0.000000e+00 : f32
    %max3A_493 = vector.broadcast %max3A_492 : f32 to vector<8x3072xf32>
    %max3A_494 = arith.maximumf %sub3A_491, %max3A_493 : vector<8x3072xf32>
    %min3A_495 = vector.broadcast %squeeze3A_486 : f32 to vector<8x3072xf32>
    %min3A_496 = arith.minimumf %add3A_38, %min3A_495 : vector<8x3072xf32>
    %max3A_497 = vector.broadcast %squeeze3A_482 : f32 to vector<8x3072xf32>
    %max3A_498 = arith.maximumf %sub3A_30, %max3A_497 : vector<8x3072xf32>
    %sub3A_499 = arith.subf %min3A_496, %max3A_498 : vector<8x3072xf32>
    %max3A_500 = arith.constant 0.000000e+00 : f32
    %max3A_501 = vector.broadcast %max3A_500 : f32 to vector<8x3072xf32>
    %max3A_502 = arith.maximumf %sub3A_499, %max3A_501 : vector<8x3072xf32>
    %mul3A_503 = arith.mulf %max3A_494, %max3A_502 : vector<8x3072xf32>
    %sub3A_504 = arith.subf %squeeze3A_484, %squeeze3A_480 : f32
    %sub3A_505 = arith.subf %squeeze3A_486, %squeeze3A_482 : f32
    %mul3A_506 = arith.mulf %sub3A_504, %sub3A_505 : f32
    %add3A_507 = vector.broadcast %mul3A_506 : f32 to vector<8x3072xf32>
    %add3A_508 = arith.addf %add3A_507, %mul3A_41 : vector<8x3072xf32>
    %sub3A_509 = arith.subf %add3A_508, %mul3A_503 : vector<8x3072xf32>
    %div3A_510 = arith.divf %mul3A_503, %sub3A_509 : vector<8x3072xf32>
    %jit3A_511 = arith.constant -1.000000e+00 : f32
    %broadcast_in_dim3A_512 = vector.broadcast %jit3A_511 : f32 to vector<8x3072xf32>
    %select_n3A_513 = arith.select %lt3A_4, %div3A_510, %broadcast_in_dim3A_512 : vector<8x3072xi1>, vector<8x3072xf32>
    %reduce_max3A_514 = vector.shape_cast %select_n3A_513 : vector<8x3072xf32> to vector<1x8x3072xf32>
    %reduce_max3A_515 = arith.constant dense<0xFF800000> : vector<1xf32>
    %reduce_max3A_516 = vector.multi_reduction <maximumf>, %reduce_max3A_514, %reduce_max3A_515 [1, 2] : vector<1x8x3072xf32> to vector<1xf32>
    %reduce_max3A_517 = vector.shape_cast %reduce_max3A_516 : vector<1xf32> to vector<1x1x1xf32>
    %reduce_max3A_518 = vector.extract %reduce_max3A_517[0, 0, 0] : f32 from vector<1x1x1xf32>
    %eq3A_519 = vector.broadcast %reduce_max3A_518 : f32 to vector<8x3072xf32>
    %eq3A_520 = arith.cmpf oeq, %select_n3A_513, %eq3A_519 : vector<8x3072xf32>
    %jit3A_521 = arith.constant 24564 : i32
    %broadcast_in_dim3A_522 = vector.broadcast %jit3A_521 : i32 to vector<8x3072xi32>
    %select_n3A_523 = arith.select %eq3A_520, %add3A, %broadcast_in_dim3A_522 : vector<8x3072xi1>, vector<8x3072xi32>
    %reduce_min3A_524 = vector.shape_cast %select_n3A_523 : vector<8x3072xi32> to vector<1x8x3072xi32>
    %reduce_min3A_525 = arith.constant dense<2147483647> : vector<1xi32>
    %reduce_min3A_526 = vector.multi_reduction <minsi>, %reduce_min3A_524, %reduce_min3A_525 [1, 2] : vector<1x8x3072xi32> to vector<1xi32>
    %reduce_min3A_527 = vector.shape_cast %reduce_min3A_526 : vector<1xi32> to vector<1x1x1xi32>
    %reduce_min3A_528 = vector.extract %reduce_min3A_527[0, 0, 0] : i32 from vector<1x1x1xi32>
    %gt3A_529 = arith.cmpf ogt, %select_n3A_513, %select_n3A_475 : vector<8x3072xf32>
    %select_n3A_530 = arith.select %gt3A_529, %select_n3A_513, %select_n3A_475 : vector<8x3072xi1>, vector<8x3072xf32>
    %jit3A_531 = arith.constant 8 : i32
    %broadcast_in_dim3A_532 = vector.broadcast %jit3A_531 : i32 to vector<8x3072xi32>
    %select_n3A_533 = arith.select %gt3A_529, %broadcast_in_dim3A_532, %select_n3A_478 : vector<8x3072xi1>, vector<8x3072xi32>
    %slice3A_534 = vector.extract_strided_slice %get3A_46 {offsets = [0, 9], sizes = [1, 1], strides = [1, 1]} : vector<6x10xf32> to vector<1x1xf32>
    %squeeze3A_535 = vector.extract %slice3A_534[0, 0] : f32 from vector<1x1xf32>
    %slice3A_536 = vector.extract_strided_slice %get3A_46 {offsets = [1, 9], sizes = [1, 1], strides = [1, 1]} : vector<6x10xf32> to vector<1x1xf32>
    %squeeze3A_537 = vector.extract %slice3A_536[0, 0] : f32 from vector<1x1xf32>
    %slice3A_538 = vector.extract_strided_slice %get3A_46 {offsets = [2, 9], sizes = [1, 1], strides = [1, 1]} : vector<6x10xf32> to vector<1x1xf32>
    %squeeze3A_539 = vector.extract %slice3A_538[0, 0] : f32 from vector<1x1xf32>
    %slice3A_540 = vector.extract_strided_slice %get3A_46 {offsets = [3, 9], sizes = [1, 1], strides = [1, 1]} : vector<6x10xf32> to vector<1x1xf32>
    %squeeze3A_541 = vector.extract %slice3A_540[0, 0] : f32 from vector<1x1xf32>
    %min3A_542 = vector.broadcast %squeeze3A_539 : f32 to vector<8x3072xf32>
    %min3A_543 = arith.minimumf %add3A_34, %min3A_542 : vector<8x3072xf32>
    %max3A_544 = vector.broadcast %squeeze3A_535 : f32 to vector<8x3072xf32>
    %max3A_545 = arith.maximumf %sub3A, %max3A_544 : vector<8x3072xf32>
    %sub3A_546 = arith.subf %min3A_543, %max3A_545 : vector<8x3072xf32>
    %max3A_547 = arith.constant 0.000000e+00 : f32
    %max3A_548 = vector.broadcast %max3A_547 : f32 to vector<8x3072xf32>
    %max3A_549 = arith.maximumf %sub3A_546, %max3A_548 : vector<8x3072xf32>
    %min3A_550 = vector.broadcast %squeeze3A_541 : f32 to vector<8x3072xf32>
    %min3A_551 = arith.minimumf %add3A_38, %min3A_550 : vector<8x3072xf32>
    %max3A_552 = vector.broadcast %squeeze3A_537 : f32 to vector<8x3072xf32>
    %max3A_553 = arith.maximumf %sub3A_30, %max3A_552 : vector<8x3072xf32>
    %sub3A_554 = arith.subf %min3A_551, %max3A_553 : vector<8x3072xf32>
    %max3A_555 = arith.constant 0.000000e+00 : f32
    %max3A_556 = vector.broadcast %max3A_555 : f32 to vector<8x3072xf32>
    %max3A_557 = arith.maximumf %sub3A_554, %max3A_556 : vector<8x3072xf32>
    %mul3A_558 = arith.mulf %max3A_549, %max3A_557 : vector<8x3072xf32>
    %sub3A_559 = arith.subf %squeeze3A_539, %squeeze3A_535 : f32
    %sub3A_560 = arith.subf %squeeze3A_541, %squeeze3A_537 : f32
    %mul3A_561 = arith.mulf %sub3A_559, %sub3A_560 : f32
    %add3A_562 = vector.broadcast %mul3A_561 : f32 to vector<8x3072xf32>
    %add3A_563 = arith.addf %add3A_562, %mul3A_41 : vector<8x3072xf32>
    %sub3A_564 = arith.subf %add3A_563, %mul3A_558 : vector<8x3072xf32>
    %div3A_565 = arith.divf %mul3A_558, %sub3A_564 : vector<8x3072xf32>
    %jit3A_566 = arith.constant -1.000000e+00 : f32
    %broadcast_in_dim3A_567 = vector.broadcast %jit3A_566 : f32 to vector<8x3072xf32>
    %select_n3A_568 = arith.select %lt3A_4, %div3A_565, %broadcast_in_dim3A_567 : vector<8x3072xi1>, vector<8x3072xf32>
    %reduce_max3A_569 = vector.shape_cast %select_n3A_568 : vector<8x3072xf32> to vector<1x8x3072xf32>
    %reduce_max3A_570 = arith.constant dense<0xFF800000> : vector<1xf32>
    %reduce_max3A_571 = vector.multi_reduction <maximumf>, %reduce_max3A_569, %reduce_max3A_570 [1, 2] : vector<1x8x3072xf32> to vector<1xf32>
    %reduce_max3A_572 = vector.shape_cast %reduce_max3A_571 : vector<1xf32> to vector<1x1x1xf32>
    %reduce_max3A_573 = vector.extract %reduce_max3A_572[0, 0, 0] : f32 from vector<1x1x1xf32>
    %eq3A_574 = vector.broadcast %reduce_max3A_573 : f32 to vector<8x3072xf32>
    %eq3A_575 = arith.cmpf oeq, %select_n3A_568, %eq3A_574 : vector<8x3072xf32>
    %jit3A_576 = arith.constant 24564 : i32
    %broadcast_in_dim3A_577 = vector.broadcast %jit3A_576 : i32 to vector<8x3072xi32>
    %select_n3A_578 = arith.select %eq3A_575, %add3A, %broadcast_in_dim3A_577 : vector<8x3072xi1>, vector<8x3072xi32>
    %reduce_min3A_579 = vector.shape_cast %select_n3A_578 : vector<8x3072xi32> to vector<1x8x3072xi32>
    %reduce_min3A_580 = arith.constant dense<2147483647> : vector<1xi32>
    %reduce_min3A_581 = vector.multi_reduction <minsi>, %reduce_min3A_579, %reduce_min3A_580 [1, 2] : vector<1x8x3072xi32> to vector<1xi32>
    %reduce_min3A_582 = vector.shape_cast %reduce_min3A_581 : vector<1xi32> to vector<1x1x1xi32>
    %reduce_min3A_583 = vector.extract %reduce_min3A_582[0, 0, 0] : i32 from vector<1x1x1xi32>
    %gt3A_584 = arith.cmpf ogt, %select_n3A_568, %select_n3A_530 : vector<8x3072xf32>
    %select_n3A_585 = arith.select %gt3A_584, %select_n3A_568, %select_n3A_530 : vector<8x3072xi1>, vector<8x3072xf32>
    %jit3A_586 = arith.constant 9 : i32
    %broadcast_in_dim3A_587 = vector.broadcast %jit3A_586 : i32 to vector<8x3072xi32>
    %select_n3A_588 = arith.select %gt3A_584, %broadcast_in_dim3A_587, %select_n3A_533 : vector<8x3072xi1>, vector<8x3072xi32>
    %eq3A_589 = vector.broadcast %reduce_min3A_89 : i32 to vector<8x3072xi32>
    %eq3A_590 = arith.cmpi eq, %add3A, %eq3A_589 : vector<8x3072xi32>
    %jit3A_591 = arith.constant 2.000000e+00 : f32
    %broadcast_in_dim3A_592 = vector.broadcast %jit3A_591 : f32 to vector<8x3072xf32>
    %select_n3A_593 = arith.select %eq3A_590, %broadcast_in_dim3A_592, %select_n3A_585 : vector<8x3072xi1>, vector<8x3072xf32>
    %jit3A_594 = arith.constant 0 : i32
    %broadcast_in_dim3A_595 = vector.broadcast %jit3A_594 : i32 to vector<8x3072xi32>
    %select_n3A_596 = arith.select %eq3A_590, %broadcast_in_dim3A_595, %select_n3A_588 : vector<8x3072xi1>, vector<8x3072xi32>
    %eq3A_597 = vector.broadcast %reduce_min3A_143 : i32 to vector<8x3072xi32>
    %eq3A_598 = arith.cmpi eq, %add3A, %eq3A_597 : vector<8x3072xi32>
    %jit3A_599 = arith.constant 2.000000e+00 : f32
    %broadcast_in_dim3A_600 = vector.broadcast %jit3A_599 : f32 to vector<8x3072xf32>
    %select_n3A_601 = arith.select %eq3A_598, %broadcast_in_dim3A_600, %select_n3A_593 : vector<8x3072xi1>, vector<8x3072xf32>
    %jit3A_602 = arith.constant 1 : i32
    %broadcast_in_dim3A_603 = vector.broadcast %jit3A_602 : i32 to vector<8x3072xi32>
    %select_n3A_604 = arith.select %eq3A_598, %broadcast_in_dim3A_603, %select_n3A_596 : vector<8x3072xi1>, vector<8x3072xi32>
    %eq3A_605 = vector.broadcast %reduce_min3A_198 : i32 to vector<8x3072xi32>
    %eq3A_606 = arith.cmpi eq, %add3A, %eq3A_605 : vector<8x3072xi32>
    %jit3A_607 = arith.constant 2.000000e+00 : f32
    %broadcast_in_dim3A_608 = vector.broadcast %jit3A_607 : f32 to vector<8x3072xf32>
    %select_n3A_609 = arith.select %eq3A_606, %broadcast_in_dim3A_608, %select_n3A_601 : vector<8x3072xi1>, vector<8x3072xf32>
    %jit3A_610 = arith.constant 2 : i32
    %broadcast_in_dim3A_611 = vector.broadcast %jit3A_610 : i32 to vector<8x3072xi32>
    %select_n3A_612 = arith.select %eq3A_606, %broadcast_in_dim3A_611, %select_n3A_604 : vector<8x3072xi1>, vector<8x3072xi32>
    %eq3A_613 = vector.broadcast %reduce_min3A_253 : i32 to vector<8x3072xi32>
    %eq3A_614 = arith.cmpi eq, %add3A, %eq3A_613 : vector<8x3072xi32>
    %jit3A_615 = arith.constant 2.000000e+00 : f32
    %broadcast_in_dim3A_616 = vector.broadcast %jit3A_615 : f32 to vector<8x3072xf32>
    %select_n3A_617 = arith.select %eq3A_614, %broadcast_in_dim3A_616, %select_n3A_609 : vector<8x3072xi1>, vector<8x3072xf32>
    %jit3A_618 = arith.constant 3 : i32
    %broadcast_in_dim3A_619 = vector.broadcast %jit3A_618 : i32 to vector<8x3072xi32>
    %select_n3A_620 = arith.select %eq3A_614, %broadcast_in_dim3A_619, %select_n3A_612 : vector<8x3072xi1>, vector<8x3072xi32>
    %eq3A_621 = vector.broadcast %reduce_min3A_308 : i32 to vector<8x3072xi32>
    %eq3A_622 = arith.cmpi eq, %add3A, %eq3A_621 : vector<8x3072xi32>
    %jit3A_623 = arith.constant 2.000000e+00 : f32
    %broadcast_in_dim3A_624 = vector.broadcast %jit3A_623 : f32 to vector<8x3072xf32>
    %select_n3A_625 = arith.select %eq3A_622, %broadcast_in_dim3A_624, %select_n3A_617 : vector<8x3072xi1>, vector<8x3072xf32>
    %jit3A_626 = arith.constant 4 : i32
    %broadcast_in_dim3A_627 = vector.broadcast %jit3A_626 : i32 to vector<8x3072xi32>
    %select_n3A_628 = arith.select %eq3A_622, %broadcast_in_dim3A_627, %select_n3A_620 : vector<8x3072xi1>, vector<8x3072xi32>
    %eq3A_629 = vector.broadcast %reduce_min3A_363 : i32 to vector<8x3072xi32>
    %eq3A_630 = arith.cmpi eq, %add3A, %eq3A_629 : vector<8x3072xi32>
    %jit3A_631 = arith.constant 2.000000e+00 : f32
    %broadcast_in_dim3A_632 = vector.broadcast %jit3A_631 : f32 to vector<8x3072xf32>
    %select_n3A_633 = arith.select %eq3A_630, %broadcast_in_dim3A_632, %select_n3A_625 : vector<8x3072xi1>, vector<8x3072xf32>
    %jit3A_634 = arith.constant 5 : i32
    %broadcast_in_dim3A_635 = vector.broadcast %jit3A_634 : i32 to vector<8x3072xi32>
    %select_n3A_636 = arith.select %eq3A_630, %broadcast_in_dim3A_635, %select_n3A_628 : vector<8x3072xi1>, vector<8x3072xi32>
    %eq3A_637 = vector.broadcast %reduce_min3A_418 : i32 to vector<8x3072xi32>
    %eq3A_638 = arith.cmpi eq, %add3A, %eq3A_637 : vector<8x3072xi32>
    %jit3A_639 = arith.constant 2.000000e+00 : f32
    %broadcast_in_dim3A_640 = vector.broadcast %jit3A_639 : f32 to vector<8x3072xf32>
    %select_n3A_641 = arith.select %eq3A_638, %broadcast_in_dim3A_640, %select_n3A_633 : vector<8x3072xi1>, vector<8x3072xf32>
    %jit3A_642 = arith.constant 6 : i32
    %broadcast_in_dim3A_643 = vector.broadcast %jit3A_642 : i32 to vector<8x3072xi32>
    %select_n3A_644 = arith.select %eq3A_638, %broadcast_in_dim3A_643, %select_n3A_636 : vector<8x3072xi1>, vector<8x3072xi32>
    %eq3A_645 = vector.broadcast %reduce_min3A_473 : i32 to vector<8x3072xi32>
    %eq3A_646 = arith.cmpi eq, %add3A, %eq3A_645 : vector<8x3072xi32>
    %jit3A_647 = arith.constant 2.000000e+00 : f32
    %broadcast_in_dim3A_648 = vector.broadcast %jit3A_647 : f32 to vector<8x3072xf32>
    %select_n3A_649 = arith.select %eq3A_646, %broadcast_in_dim3A_648, %select_n3A_641 : vector<8x3072xi1>, vector<8x3072xf32>
    %jit3A_650 = arith.constant 7 : i32
    %broadcast_in_dim3A_651 = vector.broadcast %jit3A_650 : i32 to vector<8x3072xi32>
    %select_n3A_652 = arith.select %eq3A_646, %broadcast_in_dim3A_651, %select_n3A_644 : vector<8x3072xi1>, vector<8x3072xi32>
    %eq3A_653 = vector.broadcast %reduce_min3A_528 : i32 to vector<8x3072xi32>
    %eq3A_654 = arith.cmpi eq, %add3A, %eq3A_653 : vector<8x3072xi32>
    %jit3A_655 = arith.constant 2.000000e+00 : f32
    %broadcast_in_dim3A_656 = vector.broadcast %jit3A_655 : f32 to vector<8x3072xf32>
    %select_n3A_657 = arith.select %eq3A_654, %broadcast_in_dim3A_656, %select_n3A_649 : vector<8x3072xi1>, vector<8x3072xf32>
    %jit3A_658 = arith.constant 8 : i32
    %broadcast_in_dim3A_659 = vector.broadcast %jit3A_658 : i32 to vector<8x3072xi32>
    %select_n3A_660 = arith.select %eq3A_654, %broadcast_in_dim3A_659, %select_n3A_652 : vector<8x3072xi1>, vector<8x3072xi32>
    %eq3A_661 = vector.broadcast %reduce_min3A_583 : i32 to vector<8x3072xi32>
    %eq3A_662 = arith.cmpi eq, %add3A, %eq3A_661 : vector<8x3072xi32>
    %jit3A_663 = arith.constant 2.000000e+00 : f32
    %broadcast_in_dim3A_664 = vector.broadcast %jit3A_663 : f32 to vector<8x3072xf32>
    %select_n3A_665 = arith.select %eq3A_662, %broadcast_in_dim3A_664, %select_n3A_657 : vector<8x3072xi1>, vector<8x3072xf32>
    %jit3A_666 = arith.constant 9 : i32
    %broadcast_in_dim3A_667 = vector.broadcast %jit3A_666 : i32 to vector<8x3072xi32>
    %select_n3A_668 = arith.select %eq3A_662, %broadcast_in_dim3A_667, %select_n3A_660 : vector<8x3072xi1>, vector<8x3072xi32>
    %slice3A_669 = vector.extract_strided_slice %get3A_46 {offsets = [0, 0], sizes = [1, 1], strides = [1, 1]} : vector<6x10xf32> to vector<1x1xf32>
    %squeeze3A_670 = vector.extract %slice3A_669[0, 0] : f32 from vector<1x1xf32>
    %broadcast_in_dim3A_671 = vector.broadcast %squeeze3A_670 : f32 to vector<8x3072xf32>
    %slice3A_672 = vector.extract_strided_slice %get3A_46 {offsets = [1, 0], sizes = [1, 1], strides = [1, 1]} : vector<6x10xf32> to vector<1x1xf32>
    %squeeze3A_673 = vector.extract %slice3A_672[0, 0] : f32 from vector<1x1xf32>
    %broadcast_in_dim3A_674 = vector.broadcast %squeeze3A_673 : f32 to vector<8x3072xf32>
    %slice3A_675 = vector.extract_strided_slice %get3A_46 {offsets = [2, 0], sizes = [1, 1], strides = [1, 1]} : vector<6x10xf32> to vector<1x1xf32>
    %squeeze3A_676 = vector.extract %slice3A_675[0, 0] : f32 from vector<1x1xf32>
    %broadcast_in_dim3A_677 = vector.broadcast %squeeze3A_676 : f32 to vector<8x3072xf32>
    %slice3A_678 = vector.extract_strided_slice %get3A_46 {offsets = [3, 0], sizes = [1, 1], strides = [1, 1]} : vector<6x10xf32> to vector<1x1xf32>
    %squeeze3A_679 = vector.extract %slice3A_678[0, 0] : f32 from vector<1x1xf32>
    %broadcast_in_dim3A_680 = vector.broadcast %squeeze3A_679 : f32 to vector<8x3072xf32>
    %slice3A_681 = vector.extract_strided_slice %get3A_46 {offsets = [4, 0], sizes = [1, 1], strides = [1, 1]} : vector<6x10xf32> to vector<1x1xf32>
    %squeeze3A_682 = vector.extract %slice3A_681[0, 0] : f32 from vector<1x1xf32>
    %broadcast_in_dim3A_683 = vector.broadcast %squeeze3A_682 : f32 to vector<8x3072xf32>
    %slice3A_684 = vector.extract_strided_slice %get3A_46 {offsets = [5, 0], sizes = [1, 1], strides = [1, 1]} : vector<6x10xf32> to vector<1x1xf32>
    %squeeze3A_685 = vector.extract %slice3A_684[0, 0] : f32 from vector<1x1xf32>
    %broadcast_in_dim3A_686 = vector.broadcast %squeeze3A_685 : f32 to vector<8x3072xf32>
    %eq3A_687 = arith.constant 1 : i32
    %eq3A_688 = vector.broadcast %eq3A_687 : i32 to vector<8x3072xi32>
    %eq3A_689 = arith.cmpi eq, %select_n3A_668, %eq3A_688 : vector<8x3072xi32>
    %slice3A_690 = vector.extract_strided_slice %get3A_46 {offsets = [0, 1], sizes = [1, 1], strides = [1, 1]} : vector<6x10xf32> to vector<1x1xf32>
    %squeeze3A_691 = vector.extract %slice3A_690[0, 0] : f32 from vector<1x1xf32>
    %broadcast_in_dim3A_692 = vector.broadcast %squeeze3A_691 : f32 to vector<8x3072xf32>
    %select_n3A_693 = arith.select %eq3A_689, %broadcast_in_dim3A_692, %broadcast_in_dim3A_671 : vector<8x3072xi1>, vector<8x3072xf32>
    %slice3A_694 = vector.extract_strided_slice %get3A_46 {offsets = [1, 1], sizes = [1, 1], strides = [1, 1]} : vector<6x10xf32> to vector<1x1xf32>
    %squeeze3A_695 = vector.extract %slice3A_694[0, 0] : f32 from vector<1x1xf32>
    %broadcast_in_dim3A_696 = vector.broadcast %squeeze3A_695 : f32 to vector<8x3072xf32>
    %select_n3A_697 = arith.select %eq3A_689, %broadcast_in_dim3A_696, %broadcast_in_dim3A_674 : vector<8x3072xi1>, vector<8x3072xf32>
    %slice3A_698 = vector.extract_strided_slice %get3A_46 {offsets = [2, 1], sizes = [1, 1], strides = [1, 1]} : vector<6x10xf32> to vector<1x1xf32>
    %squeeze3A_699 = vector.extract %slice3A_698[0, 0] : f32 from vector<1x1xf32>
    %broadcast_in_dim3A_700 = vector.broadcast %squeeze3A_699 : f32 to vector<8x3072xf32>
    %select_n3A_701 = arith.select %eq3A_689, %broadcast_in_dim3A_700, %broadcast_in_dim3A_677 : vector<8x3072xi1>, vector<8x3072xf32>
    %slice3A_702 = vector.extract_strided_slice %get3A_46 {offsets = [3, 1], sizes = [1, 1], strides = [1, 1]} : vector<6x10xf32> to vector<1x1xf32>
    %squeeze3A_703 = vector.extract %slice3A_702[0, 0] : f32 from vector<1x1xf32>
    %broadcast_in_dim3A_704 = vector.broadcast %squeeze3A_703 : f32 to vector<8x3072xf32>
    %select_n3A_705 = arith.select %eq3A_689, %broadcast_in_dim3A_704, %broadcast_in_dim3A_680 : vector<8x3072xi1>, vector<8x3072xf32>
    %slice3A_706 = vector.extract_strided_slice %get3A_46 {offsets = [4, 1], sizes = [1, 1], strides = [1, 1]} : vector<6x10xf32> to vector<1x1xf32>
    %squeeze3A_707 = vector.extract %slice3A_706[0, 0] : f32 from vector<1x1xf32>
    %broadcast_in_dim3A_708 = vector.broadcast %squeeze3A_707 : f32 to vector<8x3072xf32>
    %select_n3A_709 = arith.select %eq3A_689, %broadcast_in_dim3A_708, %broadcast_in_dim3A_683 : vector<8x3072xi1>, vector<8x3072xf32>
    %slice3A_710 = vector.extract_strided_slice %get3A_46 {offsets = [5, 1], sizes = [1, 1], strides = [1, 1]} : vector<6x10xf32> to vector<1x1xf32>
    %squeeze3A_711 = vector.extract %slice3A_710[0, 0] : f32 from vector<1x1xf32>
    %broadcast_in_dim3A_712 = vector.broadcast %squeeze3A_711 : f32 to vector<8x3072xf32>
    %select_n3A_713 = arith.select %eq3A_689, %broadcast_in_dim3A_712, %broadcast_in_dim3A_686 : vector<8x3072xi1>, vector<8x3072xf32>
    %eq3A_714 = arith.constant 2 : i32
    %eq3A_715 = vector.broadcast %eq3A_714 : i32 to vector<8x3072xi32>
    %eq3A_716 = arith.cmpi eq, %select_n3A_668, %eq3A_715 : vector<8x3072xi32>
    %slice3A_717 = vector.extract_strided_slice %get3A_46 {offsets = [0, 2], sizes = [1, 1], strides = [1, 1]} : vector<6x10xf32> to vector<1x1xf32>
    %squeeze3A_718 = vector.extract %slice3A_717[0, 0] : f32 from vector<1x1xf32>
    %broadcast_in_dim3A_719 = vector.broadcast %squeeze3A_718 : f32 to vector<8x3072xf32>
    %select_n3A_720 = arith.select %eq3A_716, %broadcast_in_dim3A_719, %select_n3A_693 : vector<8x3072xi1>, vector<8x3072xf32>
    %slice3A_721 = vector.extract_strided_slice %get3A_46 {offsets = [1, 2], sizes = [1, 1], strides = [1, 1]} : vector<6x10xf32> to vector<1x1xf32>
    %squeeze3A_722 = vector.extract %slice3A_721[0, 0] : f32 from vector<1x1xf32>
    %broadcast_in_dim3A_723 = vector.broadcast %squeeze3A_722 : f32 to vector<8x3072xf32>
    %select_n3A_724 = arith.select %eq3A_716, %broadcast_in_dim3A_723, %select_n3A_697 : vector<8x3072xi1>, vector<8x3072xf32>
    %slice3A_725 = vector.extract_strided_slice %get3A_46 {offsets = [2, 2], sizes = [1, 1], strides = [1, 1]} : vector<6x10xf32> to vector<1x1xf32>
    %squeeze3A_726 = vector.extract %slice3A_725[0, 0] : f32 from vector<1x1xf32>
    %broadcast_in_dim3A_727 = vector.broadcast %squeeze3A_726 : f32 to vector<8x3072xf32>
    %select_n3A_728 = arith.select %eq3A_716, %broadcast_in_dim3A_727, %select_n3A_701 : vector<8x3072xi1>, vector<8x3072xf32>
    %slice3A_729 = vector.extract_strided_slice %get3A_46 {offsets = [3, 2], sizes = [1, 1], strides = [1, 1]} : vector<6x10xf32> to vector<1x1xf32>
    %squeeze3A_730 = vector.extract %slice3A_729[0, 0] : f32 from vector<1x1xf32>
    %broadcast_in_dim3A_731 = vector.broadcast %squeeze3A_730 : f32 to vector<8x3072xf32>
    %select_n3A_732 = arith.select %eq3A_716, %broadcast_in_dim3A_731, %select_n3A_705 : vector<8x3072xi1>, vector<8x3072xf32>
    %slice3A_733 = vector.extract_strided_slice %get3A_46 {offsets = [4, 2], sizes = [1, 1], strides = [1, 1]} : vector<6x10xf32> to vector<1x1xf32>
    %squeeze3A_734 = vector.extract %slice3A_733[0, 0] : f32 from vector<1x1xf32>
    %broadcast_in_dim3A_735 = vector.broadcast %squeeze3A_734 : f32 to vector<8x3072xf32>
    %select_n3A_736 = arith.select %eq3A_716, %broadcast_in_dim3A_735, %select_n3A_709 : vector<8x3072xi1>, vector<8x3072xf32>
    %slice3A_737 = vector.extract_strided_slice %get3A_46 {offsets = [5, 2], sizes = [1, 1], strides = [1, 1]} : vector<6x10xf32> to vector<1x1xf32>
    %squeeze3A_738 = vector.extract %slice3A_737[0, 0] : f32 from vector<1x1xf32>
    %broadcast_in_dim3A_739 = vector.broadcast %squeeze3A_738 : f32 to vector<8x3072xf32>
    %select_n3A_740 = arith.select %eq3A_716, %broadcast_in_dim3A_739, %select_n3A_713 : vector<8x3072xi1>, vector<8x3072xf32>
    %eq3A_741 = arith.constant 3 : i32
    %eq3A_742 = vector.broadcast %eq3A_741 : i32 to vector<8x3072xi32>
    %eq3A_743 = arith.cmpi eq, %select_n3A_668, %eq3A_742 : vector<8x3072xi32>
    %slice3A_744 = vector.extract_strided_slice %get3A_46 {offsets = [0, 3], sizes = [1, 1], strides = [1, 1]} : vector<6x10xf32> to vector<1x1xf32>
    %squeeze3A_745 = vector.extract %slice3A_744[0, 0] : f32 from vector<1x1xf32>
    %broadcast_in_dim3A_746 = vector.broadcast %squeeze3A_745 : f32 to vector<8x3072xf32>
    %select_n3A_747 = arith.select %eq3A_743, %broadcast_in_dim3A_746, %select_n3A_720 : vector<8x3072xi1>, vector<8x3072xf32>
    %slice3A_748 = vector.extract_strided_slice %get3A_46 {offsets = [1, 3], sizes = [1, 1], strides = [1, 1]} : vector<6x10xf32> to vector<1x1xf32>
    %squeeze3A_749 = vector.extract %slice3A_748[0, 0] : f32 from vector<1x1xf32>
    %broadcast_in_dim3A_750 = vector.broadcast %squeeze3A_749 : f32 to vector<8x3072xf32>
    %select_n3A_751 = arith.select %eq3A_743, %broadcast_in_dim3A_750, %select_n3A_724 : vector<8x3072xi1>, vector<8x3072xf32>
    %slice3A_752 = vector.extract_strided_slice %get3A_46 {offsets = [2, 3], sizes = [1, 1], strides = [1, 1]} : vector<6x10xf32> to vector<1x1xf32>
    %squeeze3A_753 = vector.extract %slice3A_752[0, 0] : f32 from vector<1x1xf32>
    %broadcast_in_dim3A_754 = vector.broadcast %squeeze3A_753 : f32 to vector<8x3072xf32>
    %select_n3A_755 = arith.select %eq3A_743, %broadcast_in_dim3A_754, %select_n3A_728 : vector<8x3072xi1>, vector<8x3072xf32>
    %slice3A_756 = vector.extract_strided_slice %get3A_46 {offsets = [3, 3], sizes = [1, 1], strides = [1, 1]} : vector<6x10xf32> to vector<1x1xf32>
    %squeeze3A_757 = vector.extract %slice3A_756[0, 0] : f32 from vector<1x1xf32>
    %broadcast_in_dim3A_758 = vector.broadcast %squeeze3A_757 : f32 to vector<8x3072xf32>
    %select_n3A_759 = arith.select %eq3A_743, %broadcast_in_dim3A_758, %select_n3A_732 : vector<8x3072xi1>, vector<8x3072xf32>
    %slice3A_760 = vector.extract_strided_slice %get3A_46 {offsets = [4, 3], sizes = [1, 1], strides = [1, 1]} : vector<6x10xf32> to vector<1x1xf32>
    %squeeze3A_761 = vector.extract %slice3A_760[0, 0] : f32 from vector<1x1xf32>
    %broadcast_in_dim3A_762 = vector.broadcast %squeeze3A_761 : f32 to vector<8x3072xf32>
    %select_n3A_763 = arith.select %eq3A_743, %broadcast_in_dim3A_762, %select_n3A_736 : vector<8x3072xi1>, vector<8x3072xf32>
    %slice3A_764 = vector.extract_strided_slice %get3A_46 {offsets = [5, 3], sizes = [1, 1], strides = [1, 1]} : vector<6x10xf32> to vector<1x1xf32>
    %squeeze3A_765 = vector.extract %slice3A_764[0, 0] : f32 from vector<1x1xf32>
    %broadcast_in_dim3A_766 = vector.broadcast %squeeze3A_765 : f32 to vector<8x3072xf32>
    %select_n3A_767 = arith.select %eq3A_743, %broadcast_in_dim3A_766, %select_n3A_740 : vector<8x3072xi1>, vector<8x3072xf32>
    %eq3A_768 = arith.constant 4 : i32
    %eq3A_769 = vector.broadcast %eq3A_768 : i32 to vector<8x3072xi32>
    %eq3A_770 = arith.cmpi eq, %select_n3A_668, %eq3A_769 : vector<8x3072xi32>
    %slice3A_771 = vector.extract_strided_slice %get3A_46 {offsets = [0, 4], sizes = [1, 1], strides = [1, 1]} : vector<6x10xf32> to vector<1x1xf32>
    %squeeze3A_772 = vector.extract %slice3A_771[0, 0] : f32 from vector<1x1xf32>
    %broadcast_in_dim3A_773 = vector.broadcast %squeeze3A_772 : f32 to vector<8x3072xf32>
    %select_n3A_774 = arith.select %eq3A_770, %broadcast_in_dim3A_773, %select_n3A_747 : vector<8x3072xi1>, vector<8x3072xf32>
    %slice3A_775 = vector.extract_strided_slice %get3A_46 {offsets = [1, 4], sizes = [1, 1], strides = [1, 1]} : vector<6x10xf32> to vector<1x1xf32>
    %squeeze3A_776 = vector.extract %slice3A_775[0, 0] : f32 from vector<1x1xf32>
    %broadcast_in_dim3A_777 = vector.broadcast %squeeze3A_776 : f32 to vector<8x3072xf32>
    %select_n3A_778 = arith.select %eq3A_770, %broadcast_in_dim3A_777, %select_n3A_751 : vector<8x3072xi1>, vector<8x3072xf32>
    %slice3A_779 = vector.extract_strided_slice %get3A_46 {offsets = [2, 4], sizes = [1, 1], strides = [1, 1]} : vector<6x10xf32> to vector<1x1xf32>
    %squeeze3A_780 = vector.extract %slice3A_779[0, 0] : f32 from vector<1x1xf32>
    %broadcast_in_dim3A_781 = vector.broadcast %squeeze3A_780 : f32 to vector<8x3072xf32>
    %select_n3A_782 = arith.select %eq3A_770, %broadcast_in_dim3A_781, %select_n3A_755 : vector<8x3072xi1>, vector<8x3072xf32>
    %slice3A_783 = vector.extract_strided_slice %get3A_46 {offsets = [3, 4], sizes = [1, 1], strides = [1, 1]} : vector<6x10xf32> to vector<1x1xf32>
    %squeeze3A_784 = vector.extract %slice3A_783[0, 0] : f32 from vector<1x1xf32>
    %broadcast_in_dim3A_785 = vector.broadcast %squeeze3A_784 : f32 to vector<8x3072xf32>
    %select_n3A_786 = arith.select %eq3A_770, %broadcast_in_dim3A_785, %select_n3A_759 : vector<8x3072xi1>, vector<8x3072xf32>
    %slice3A_787 = vector.extract_strided_slice %get3A_46 {offsets = [4, 4], sizes = [1, 1], strides = [1, 1]} : vector<6x10xf32> to vector<1x1xf32>
    %squeeze3A_788 = vector.extract %slice3A_787[0, 0] : f32 from vector<1x1xf32>
    %broadcast_in_dim3A_789 = vector.broadcast %squeeze3A_788 : f32 to vector<8x3072xf32>
    %select_n3A_790 = arith.select %eq3A_770, %broadcast_in_dim3A_789, %select_n3A_763 : vector<8x3072xi1>, vector<8x3072xf32>
    %slice3A_791 = vector.extract_strided_slice %get3A_46 {offsets = [5, 4], sizes = [1, 1], strides = [1, 1]} : vector<6x10xf32> to vector<1x1xf32>
    %squeeze3A_792 = vector.extract %slice3A_791[0, 0] : f32 from vector<1x1xf32>
    %broadcast_in_dim3A_793 = vector.broadcast %squeeze3A_792 : f32 to vector<8x3072xf32>
    %select_n3A_794 = arith.select %eq3A_770, %broadcast_in_dim3A_793, %select_n3A_767 : vector<8x3072xi1>, vector<8x3072xf32>
    %eq3A_795 = arith.constant 5 : i32
    %eq3A_796 = vector.broadcast %eq3A_795 : i32 to vector<8x3072xi32>
    %eq3A_797 = arith.cmpi eq, %select_n3A_668, %eq3A_796 : vector<8x3072xi32>
    %slice3A_798 = vector.extract_strided_slice %get3A_46 {offsets = [0, 5], sizes = [1, 1], strides = [1, 1]} : vector<6x10xf32> to vector<1x1xf32>
    %squeeze3A_799 = vector.extract %slice3A_798[0, 0] : f32 from vector<1x1xf32>
    %broadcast_in_dim3A_800 = vector.broadcast %squeeze3A_799 : f32 to vector<8x3072xf32>
    %select_n3A_801 = arith.select %eq3A_797, %broadcast_in_dim3A_800, %select_n3A_774 : vector<8x3072xi1>, vector<8x3072xf32>
    %slice3A_802 = vector.extract_strided_slice %get3A_46 {offsets = [1, 5], sizes = [1, 1], strides = [1, 1]} : vector<6x10xf32> to vector<1x1xf32>
    %squeeze3A_803 = vector.extract %slice3A_802[0, 0] : f32 from vector<1x1xf32>
    %broadcast_in_dim3A_804 = vector.broadcast %squeeze3A_803 : f32 to vector<8x3072xf32>
    %select_n3A_805 = arith.select %eq3A_797, %broadcast_in_dim3A_804, %select_n3A_778 : vector<8x3072xi1>, vector<8x3072xf32>
    %slice3A_806 = vector.extract_strided_slice %get3A_46 {offsets = [2, 5], sizes = [1, 1], strides = [1, 1]} : vector<6x10xf32> to vector<1x1xf32>
    %squeeze3A_807 = vector.extract %slice3A_806[0, 0] : f32 from vector<1x1xf32>
    %broadcast_in_dim3A_808 = vector.broadcast %squeeze3A_807 : f32 to vector<8x3072xf32>
    %select_n3A_809 = arith.select %eq3A_797, %broadcast_in_dim3A_808, %select_n3A_782 : vector<8x3072xi1>, vector<8x3072xf32>
    %slice3A_810 = vector.extract_strided_slice %get3A_46 {offsets = [3, 5], sizes = [1, 1], strides = [1, 1]} : vector<6x10xf32> to vector<1x1xf32>
    %squeeze3A_811 = vector.extract %slice3A_810[0, 0] : f32 from vector<1x1xf32>
    %broadcast_in_dim3A_812 = vector.broadcast %squeeze3A_811 : f32 to vector<8x3072xf32>
    %select_n3A_813 = arith.select %eq3A_797, %broadcast_in_dim3A_812, %select_n3A_786 : vector<8x3072xi1>, vector<8x3072xf32>
    %slice3A_814 = vector.extract_strided_slice %get3A_46 {offsets = [4, 5], sizes = [1, 1], strides = [1, 1]} : vector<6x10xf32> to vector<1x1xf32>
    %squeeze3A_815 = vector.extract %slice3A_814[0, 0] : f32 from vector<1x1xf32>
    %broadcast_in_dim3A_816 = vector.broadcast %squeeze3A_815 : f32 to vector<8x3072xf32>
    %select_n3A_817 = arith.select %eq3A_797, %broadcast_in_dim3A_816, %select_n3A_790 : vector<8x3072xi1>, vector<8x3072xf32>
    %slice3A_818 = vector.extract_strided_slice %get3A_46 {offsets = [5, 5], sizes = [1, 1], strides = [1, 1]} : vector<6x10xf32> to vector<1x1xf32>
    %squeeze3A_819 = vector.extract %slice3A_818[0, 0] : f32 from vector<1x1xf32>
    %broadcast_in_dim3A_820 = vector.broadcast %squeeze3A_819 : f32 to vector<8x3072xf32>
    %select_n3A_821 = arith.select %eq3A_797, %broadcast_in_dim3A_820, %select_n3A_794 : vector<8x3072xi1>, vector<8x3072xf32>
    %eq3A_822 = arith.constant 6 : i32
    %eq3A_823 = vector.broadcast %eq3A_822 : i32 to vector<8x3072xi32>
    %eq3A_824 = arith.cmpi eq, %select_n3A_668, %eq3A_823 : vector<8x3072xi32>
    %slice3A_825 = vector.extract_strided_slice %get3A_46 {offsets = [0, 6], sizes = [1, 1], strides = [1, 1]} : vector<6x10xf32> to vector<1x1xf32>
    %squeeze3A_826 = vector.extract %slice3A_825[0, 0] : f32 from vector<1x1xf32>
    %broadcast_in_dim3A_827 = vector.broadcast %squeeze3A_826 : f32 to vector<8x3072xf32>
    %select_n3A_828 = arith.select %eq3A_824, %broadcast_in_dim3A_827, %select_n3A_801 : vector<8x3072xi1>, vector<8x3072xf32>
    %slice3A_829 = vector.extract_strided_slice %get3A_46 {offsets = [1, 6], sizes = [1, 1], strides = [1, 1]} : vector<6x10xf32> to vector<1x1xf32>
    %squeeze3A_830 = vector.extract %slice3A_829[0, 0] : f32 from vector<1x1xf32>
    %broadcast_in_dim3A_831 = vector.broadcast %squeeze3A_830 : f32 to vector<8x3072xf32>
    %select_n3A_832 = arith.select %eq3A_824, %broadcast_in_dim3A_831, %select_n3A_805 : vector<8x3072xi1>, vector<8x3072xf32>
    %slice3A_833 = vector.extract_strided_slice %get3A_46 {offsets = [2, 6], sizes = [1, 1], strides = [1, 1]} : vector<6x10xf32> to vector<1x1xf32>
    %squeeze3A_834 = vector.extract %slice3A_833[0, 0] : f32 from vector<1x1xf32>
    %broadcast_in_dim3A_835 = vector.broadcast %squeeze3A_834 : f32 to vector<8x3072xf32>
    %select_n3A_836 = arith.select %eq3A_824, %broadcast_in_dim3A_835, %select_n3A_809 : vector<8x3072xi1>, vector<8x3072xf32>
    %slice3A_837 = vector.extract_strided_slice %get3A_46 {offsets = [3, 6], sizes = [1, 1], strides = [1, 1]} : vector<6x10xf32> to vector<1x1xf32>
    %squeeze3A_838 = vector.extract %slice3A_837[0, 0] : f32 from vector<1x1xf32>
    %broadcast_in_dim3A_839 = vector.broadcast %squeeze3A_838 : f32 to vector<8x3072xf32>
    %select_n3A_840 = arith.select %eq3A_824, %broadcast_in_dim3A_839, %select_n3A_813 : vector<8x3072xi1>, vector<8x3072xf32>
    %slice3A_841 = vector.extract_strided_slice %get3A_46 {offsets = [4, 6], sizes = [1, 1], strides = [1, 1]} : vector<6x10xf32> to vector<1x1xf32>
    %squeeze3A_842 = vector.extract %slice3A_841[0, 0] : f32 from vector<1x1xf32>
    %broadcast_in_dim3A_843 = vector.broadcast %squeeze3A_842 : f32 to vector<8x3072xf32>
    %select_n3A_844 = arith.select %eq3A_824, %broadcast_in_dim3A_843, %select_n3A_817 : vector<8x3072xi1>, vector<8x3072xf32>
    %slice3A_845 = vector.extract_strided_slice %get3A_46 {offsets = [5, 6], sizes = [1, 1], strides = [1, 1]} : vector<6x10xf32> to vector<1x1xf32>
    %squeeze3A_846 = vector.extract %slice3A_845[0, 0] : f32 from vector<1x1xf32>
    %broadcast_in_dim3A_847 = vector.broadcast %squeeze3A_846 : f32 to vector<8x3072xf32>
    %select_n3A_848 = arith.select %eq3A_824, %broadcast_in_dim3A_847, %select_n3A_821 : vector<8x3072xi1>, vector<8x3072xf32>
    %eq3A_849 = arith.constant 7 : i32
    %eq3A_850 = vector.broadcast %eq3A_849 : i32 to vector<8x3072xi32>
    %eq3A_851 = arith.cmpi eq, %select_n3A_668, %eq3A_850 : vector<8x3072xi32>
    %slice3A_852 = vector.extract_strided_slice %get3A_46 {offsets = [0, 7], sizes = [1, 1], strides = [1, 1]} : vector<6x10xf32> to vector<1x1xf32>
    %squeeze3A_853 = vector.extract %slice3A_852[0, 0] : f32 from vector<1x1xf32>
    %broadcast_in_dim3A_854 = vector.broadcast %squeeze3A_853 : f32 to vector<8x3072xf32>
    %select_n3A_855 = arith.select %eq3A_851, %broadcast_in_dim3A_854, %select_n3A_828 : vector<8x3072xi1>, vector<8x3072xf32>
    %slice3A_856 = vector.extract_strided_slice %get3A_46 {offsets = [1, 7], sizes = [1, 1], strides = [1, 1]} : vector<6x10xf32> to vector<1x1xf32>
    %squeeze3A_857 = vector.extract %slice3A_856[0, 0] : f32 from vector<1x1xf32>
    %broadcast_in_dim3A_858 = vector.broadcast %squeeze3A_857 : f32 to vector<8x3072xf32>
    %select_n3A_859 = arith.select %eq3A_851, %broadcast_in_dim3A_858, %select_n3A_832 : vector<8x3072xi1>, vector<8x3072xf32>
    %slice3A_860 = vector.extract_strided_slice %get3A_46 {offsets = [2, 7], sizes = [1, 1], strides = [1, 1]} : vector<6x10xf32> to vector<1x1xf32>
    %squeeze3A_861 = vector.extract %slice3A_860[0, 0] : f32 from vector<1x1xf32>
    %broadcast_in_dim3A_862 = vector.broadcast %squeeze3A_861 : f32 to vector<8x3072xf32>
    %select_n3A_863 = arith.select %eq3A_851, %broadcast_in_dim3A_862, %select_n3A_836 : vector<8x3072xi1>, vector<8x3072xf32>
    %slice3A_864 = vector.extract_strided_slice %get3A_46 {offsets = [3, 7], sizes = [1, 1], strides = [1, 1]} : vector<6x10xf32> to vector<1x1xf32>
    %squeeze3A_865 = vector.extract %slice3A_864[0, 0] : f32 from vector<1x1xf32>
    %broadcast_in_dim3A_866 = vector.broadcast %squeeze3A_865 : f32 to vector<8x3072xf32>
    %select_n3A_867 = arith.select %eq3A_851, %broadcast_in_dim3A_866, %select_n3A_840 : vector<8x3072xi1>, vector<8x3072xf32>
    %slice3A_868 = vector.extract_strided_slice %get3A_46 {offsets = [4, 7], sizes = [1, 1], strides = [1, 1]} : vector<6x10xf32> to vector<1x1xf32>
    %squeeze3A_869 = vector.extract %slice3A_868[0, 0] : f32 from vector<1x1xf32>
    %broadcast_in_dim3A_870 = vector.broadcast %squeeze3A_869 : f32 to vector<8x3072xf32>
    %select_n3A_871 = arith.select %eq3A_851, %broadcast_in_dim3A_870, %select_n3A_844 : vector<8x3072xi1>, vector<8x3072xf32>
    %slice3A_872 = vector.extract_strided_slice %get3A_46 {offsets = [5, 7], sizes = [1, 1], strides = [1, 1]} : vector<6x10xf32> to vector<1x1xf32>
    %squeeze3A_873 = vector.extract %slice3A_872[0, 0] : f32 from vector<1x1xf32>
    %broadcast_in_dim3A_874 = vector.broadcast %squeeze3A_873 : f32 to vector<8x3072xf32>
    %select_n3A_875 = arith.select %eq3A_851, %broadcast_in_dim3A_874, %select_n3A_848 : vector<8x3072xi1>, vector<8x3072xf32>
    %eq3A_876 = arith.constant 8 : i32
    %eq3A_877 = vector.broadcast %eq3A_876 : i32 to vector<8x3072xi32>
    %eq3A_878 = arith.cmpi eq, %select_n3A_668, %eq3A_877 : vector<8x3072xi32>
    %slice3A_879 = vector.extract_strided_slice %get3A_46 {offsets = [0, 8], sizes = [1, 1], strides = [1, 1]} : vector<6x10xf32> to vector<1x1xf32>
    %squeeze3A_880 = vector.extract %slice3A_879[0, 0] : f32 from vector<1x1xf32>
    %broadcast_in_dim3A_881 = vector.broadcast %squeeze3A_880 : f32 to vector<8x3072xf32>
    %select_n3A_882 = arith.select %eq3A_878, %broadcast_in_dim3A_881, %select_n3A_855 : vector<8x3072xi1>, vector<8x3072xf32>
    %slice3A_883 = vector.extract_strided_slice %get3A_46 {offsets = [1, 8], sizes = [1, 1], strides = [1, 1]} : vector<6x10xf32> to vector<1x1xf32>
    %squeeze3A_884 = vector.extract %slice3A_883[0, 0] : f32 from vector<1x1xf32>
    %broadcast_in_dim3A_885 = vector.broadcast %squeeze3A_884 : f32 to vector<8x3072xf32>
    %select_n3A_886 = arith.select %eq3A_878, %broadcast_in_dim3A_885, %select_n3A_859 : vector<8x3072xi1>, vector<8x3072xf32>
    %slice3A_887 = vector.extract_strided_slice %get3A_46 {offsets = [2, 8], sizes = [1, 1], strides = [1, 1]} : vector<6x10xf32> to vector<1x1xf32>
    %squeeze3A_888 = vector.extract %slice3A_887[0, 0] : f32 from vector<1x1xf32>
    %broadcast_in_dim3A_889 = vector.broadcast %squeeze3A_888 : f32 to vector<8x3072xf32>
    %select_n3A_890 = arith.select %eq3A_878, %broadcast_in_dim3A_889, %select_n3A_863 : vector<8x3072xi1>, vector<8x3072xf32>
    %slice3A_891 = vector.extract_strided_slice %get3A_46 {offsets = [3, 8], sizes = [1, 1], strides = [1, 1]} : vector<6x10xf32> to vector<1x1xf32>
    %squeeze3A_892 = vector.extract %slice3A_891[0, 0] : f32 from vector<1x1xf32>
    %broadcast_in_dim3A_893 = vector.broadcast %squeeze3A_892 : f32 to vector<8x3072xf32>
    %select_n3A_894 = arith.select %eq3A_878, %broadcast_in_dim3A_893, %select_n3A_867 : vector<8x3072xi1>, vector<8x3072xf32>
    %slice3A_895 = vector.extract_strided_slice %get3A_46 {offsets = [4, 8], sizes = [1, 1], strides = [1, 1]} : vector<6x10xf32> to vector<1x1xf32>
    %squeeze3A_896 = vector.extract %slice3A_895[0, 0] : f32 from vector<1x1xf32>
    %broadcast_in_dim3A_897 = vector.broadcast %squeeze3A_896 : f32 to vector<8x3072xf32>
    %select_n3A_898 = arith.select %eq3A_878, %broadcast_in_dim3A_897, %select_n3A_871 : vector<8x3072xi1>, vector<8x3072xf32>
    %slice3A_899 = vector.extract_strided_slice %get3A_46 {offsets = [5, 8], sizes = [1, 1], strides = [1, 1]} : vector<6x10xf32> to vector<1x1xf32>
    %squeeze3A_900 = vector.extract %slice3A_899[0, 0] : f32 from vector<1x1xf32>
    %broadcast_in_dim3A_901 = vector.broadcast %squeeze3A_900 : f32 to vector<8x3072xf32>
    %select_n3A_902 = arith.select %eq3A_878, %broadcast_in_dim3A_901, %select_n3A_875 : vector<8x3072xi1>, vector<8x3072xf32>
    %eq3A_903 = arith.constant 9 : i32
    %eq3A_904 = vector.broadcast %eq3A_903 : i32 to vector<8x3072xi32>
    %eq3A_905 = arith.cmpi eq, %select_n3A_668, %eq3A_904 : vector<8x3072xi32>
    %slice3A_906 = vector.extract_strided_slice %get3A_46 {offsets = [0, 9], sizes = [1, 1], strides = [1, 1]} : vector<6x10xf32> to vector<1x1xf32>
    %squeeze3A_907 = vector.extract %slice3A_906[0, 0] : f32 from vector<1x1xf32>
    %broadcast_in_dim3A_908 = vector.broadcast %squeeze3A_907 : f32 to vector<8x3072xf32>
    %select_n3A_909 = arith.select %eq3A_905, %broadcast_in_dim3A_908, %select_n3A_882 : vector<8x3072xi1>, vector<8x3072xf32>
    %slice3A_910 = vector.extract_strided_slice %get3A_46 {offsets = [1, 9], sizes = [1, 1], strides = [1, 1]} : vector<6x10xf32> to vector<1x1xf32>
    %squeeze3A_911 = vector.extract %slice3A_910[0, 0] : f32 from vector<1x1xf32>
    %broadcast_in_dim3A_912 = vector.broadcast %squeeze3A_911 : f32 to vector<8x3072xf32>
    %select_n3A_913 = arith.select %eq3A_905, %broadcast_in_dim3A_912, %select_n3A_886 : vector<8x3072xi1>, vector<8x3072xf32>
    %slice3A_914 = vector.extract_strided_slice %get3A_46 {offsets = [2, 9], sizes = [1, 1], strides = [1, 1]} : vector<6x10xf32> to vector<1x1xf32>
    %squeeze3A_915 = vector.extract %slice3A_914[0, 0] : f32 from vector<1x1xf32>
    %broadcast_in_dim3A_916 = vector.broadcast %squeeze3A_915 : f32 to vector<8x3072xf32>
    %select_n3A_917 = arith.select %eq3A_905, %broadcast_in_dim3A_916, %select_n3A_890 : vector<8x3072xi1>, vector<8x3072xf32>
    %slice3A_918 = vector.extract_strided_slice %get3A_46 {offsets = [3, 9], sizes = [1, 1], strides = [1, 1]} : vector<6x10xf32> to vector<1x1xf32>
    %squeeze3A_919 = vector.extract %slice3A_918[0, 0] : f32 from vector<1x1xf32>
    %broadcast_in_dim3A_920 = vector.broadcast %squeeze3A_919 : f32 to vector<8x3072xf32>
    %select_n3A_921 = arith.select %eq3A_905, %broadcast_in_dim3A_920, %select_n3A_894 : vector<8x3072xi1>, vector<8x3072xf32>
    %slice3A_922 = vector.extract_strided_slice %get3A_46 {offsets = [4, 9], sizes = [1, 1], strides = [1, 1]} : vector<6x10xf32> to vector<1x1xf32>
    %squeeze3A_923 = vector.extract %slice3A_922[0, 0] : f32 from vector<1x1xf32>
    %broadcast_in_dim3A_924 = vector.broadcast %squeeze3A_923 : f32 to vector<8x3072xf32>
    %select_n3A_925 = arith.select %eq3A_905, %broadcast_in_dim3A_924, %select_n3A_898 : vector<8x3072xi1>, vector<8x3072xf32>
    %slice3A_926 = vector.extract_strided_slice %get3A_46 {offsets = [5, 9], sizes = [1, 1], strides = [1, 1]} : vector<6x10xf32> to vector<1x1xf32>
    %squeeze3A_927 = vector.extract %slice3A_926[0, 0] : f32 from vector<1x1xf32>
    %broadcast_in_dim3A_928 = vector.broadcast %squeeze3A_927 : f32 to vector<8x3072xf32>
    %select_n3A_929 = arith.select %eq3A_905, %broadcast_in_dim3A_928, %select_n3A_902 : vector<8x3072xi1>, vector<8x3072xf32>
    %lt3A_930 = arith.constant 5.000000e-01 : f32
    %lt3A_931 = vector.broadcast %lt3A_930 : f32 to vector<8x3072xf32>
    %lt3A_932 = arith.cmpf olt, %select_n3A_665, %lt3A_931 : vector<8x3072xf32>
    %convert_element_type3A = arith.fptosi %select_n3A_925 : vector<8x3072xf32> to vector<8x3072xi32>
    %add3A_933 = arith.constant 1 : i32
    %add3A_934 = vector.broadcast %add3A_933 : i32 to vector<8x3072xi32>
    %add3A_935 = arith.addi %convert_element_type3A, %add3A_934 : vector<8x3072xi32>
    %jit3A_936 = arith.constant 0 : i32
    %broadcast_in_dim3A_937 = vector.broadcast %jit3A_936 : i32 to vector<8x3072xi32>
    %select_n3A_938 = arith.select %lt3A_932, %broadcast_in_dim3A_937, %add3A_935 : vector<8x3072xi1>, vector<8x3072xi32>
    %gt3A_939 = arith.constant 0 : i32
    %gt3A_940 = vector.broadcast %gt3A_939 : i32 to vector<8x3072xi32>
    %gt3A_941 = arith.cmpi sgt, %select_n3A_938, %gt3A_940 : vector<8x3072xi32>
    %jit3A_942 = arith.constant 1.000000e+00 : f32
    %jit3A_943 = arith.constant 0.000000e+00 : f32
    %broadcast_in_dim3A_944 = vector.broadcast %jit3A_942 : f32 to vector<8x3072xf32>
    %broadcast_in_dim3A_945 = vector.broadcast %jit3A_943 : f32 to vector<8x3072xf32>
    %select_n3A_946 = arith.select %gt3A_941, %broadcast_in_dim3A_944, %broadcast_in_dim3A_945 : vector<8x3072xi1>, vector<8x3072xf32>
    %reduce_sum3A = vector.shape_cast %select_n3A_946 : vector<8x3072xf32> to vector<1x8x3072xf32>
    %reduce_sum3A_947 = arith.constant dense<0.000000e+00> : vector<1xf32>
    %reduce_sum3A_948 = vector.multi_reduction <add>, %reduce_sum3A, %reduce_sum3A_947 [1, 2] : vector<1x8x3072xf32> to vector<1xf32>
    %reduce_sum3A_949 = vector.shape_cast %reduce_sum3A_948 : vector<1xf32> to vector<1x1x1xf32>
    %reduce_sum3A_950 = vector.extract %reduce_sum3A_949[0, 0, 0] : f32 from vector<1x1x1xf32>
    %add3A_951 = arith.addf %select_n3A_909, %select_n3A_917 : vector<8x3072xf32>
    %mul3A_952 = arith.constant 5.000000e-01 : f32
    %mul3A_953 = vector.broadcast %mul3A_952 : f32 to vector<8x3072xf32>
    %mul3A_954 = arith.mulf %add3A_951, %mul3A_953 : vector<8x3072xf32>
    %sub3A_955 = arith.subf %mul3A_954, %get3A_8 : vector<8x3072xf32>
    %mul3A_956 = arith.constant 1.000000e-01 : f32
    %mul3A_957 = vector.broadcast %mul3A_956 : f32 to vector<8x3072xf32>
    %mul3A_958 = arith.mulf %mul3A_957, %get3A_18 : vector<8x3072xf32>
    %div3A_959 = arith.divf %sub3A_955, %mul3A_958 : vector<8x3072xf32>
    %add3A_960 = arith.addf %select_n3A_913, %select_n3A_921 : vector<8x3072xf32>
    %mul3A_961 = arith.constant 5.000000e-01 : f32
    %mul3A_962 = vector.broadcast %mul3A_961 : f32 to vector<8x3072xf32>
    %mul3A_963 = arith.mulf %add3A_960, %mul3A_962 : vector<8x3072xf32>
    %sub3A_964 = arith.subf %mul3A_963, %get3A_13 : vector<8x3072xf32>
    %mul3A_965 = arith.constant 1.000000e-01 : f32
    %mul3A_966 = vector.broadcast %mul3A_965 : f32 to vector<8x3072xf32>
    %mul3A_967 = arith.mulf %mul3A_966, %get3A_23 : vector<8x3072xf32>
    %div3A_968 = arith.divf %sub3A_964, %mul3A_967 : vector<8x3072xf32>
    %sub3A_969 = arith.subf %select_n3A_917, %select_n3A_909 : vector<8x3072xf32>
    %div3A_970 = arith.divf %sub3A_969, %get3A_18 : vector<8x3072xf32>
    %log3A = math.log %div3A_970 : vector<8x3072xf32>
    %div3A_971 = arith.constant 2.000000e-01 : f32
    %div3A_972 = vector.broadcast %div3A_971 : f32 to vector<8x3072xf32>
    %div3A_973 = arith.divf %log3A, %div3A_972 : vector<8x3072xf32>
    %sub3A_974 = arith.subf %select_n3A_921, %select_n3A_913 : vector<8x3072xf32>
    %div3A_975 = arith.divf %sub3A_974, %get3A_23 : vector<8x3072xf32>
    %log3A_976 = math.log %div3A_975 : vector<8x3072xf32>
    %div3A_977 = arith.constant 2.000000e-01 : f32
    %div3A_978 = vector.broadcast %div3A_977 : f32 to vector<8x3072xf32>
    %div3A_979 = arith.divf %log3A_976, %div3A_978 : vector<8x3072xf32>
    %broadcast_in_dim3A_980 = arith.constant 0.000000e+00 : f32
    %broadcast_in_dim3A_981 = vector.broadcast %broadcast_in_dim3A_980 : f32 to vector<8x3072xf32>
    %get3A_982 = arith.constant 0 : index
    %get3A_983 = arith.constant 0 : index
    %get3A_984 = arith.constant 0 : index
    %get3A_985 = arith.constant 0 : index
    %get3A_986 = vector.load %arg1[%get3A_982, %get3A_983, %get3A_984, %get3A_985] : memref<1x4x8x3072xf32, #tpu.memory_space<vmem>>, vector<1x1x8x3072xf32>
    %get3A_987 = vector.shape_cast %get3A_986 : vector<1x1x8x3072xf32> to vector<8x3072xf32>
    %sub3A_988 = arith.subf %get3A_987, %div3A_959 : vector<8x3072xf32>
    %abs3A = math.absf %sub3A_988 : vector<8x3072xf32>
    %lt3A_989 = arith.constant 1.000000e+00 : f32
    %lt3A_990 = vector.broadcast %lt3A_989 : f32 to vector<8x3072xf32>
    %lt3A_991 = arith.cmpf olt, %abs3A, %lt3A_990 : vector<8x3072xf32>
    %mul3A_992 = arith.constant 5.000000e-01 : f32
    %mul3A_993 = vector.broadcast %mul3A_992 : f32 to vector<8x3072xf32>
    %mul3A_994 = arith.mulf %mul3A_993, %sub3A_988 : vector<8x3072xf32>
    %mul3A_995 = arith.mulf %mul3A_994, %sub3A_988 : vector<8x3072xf32>
    %sub3A_996 = arith.constant 5.000000e-01 : f32
    %sub3A_997 = vector.broadcast %sub3A_996 : f32 to vector<8x3072xf32>
    %sub3A_998 = arith.subf %abs3A, %sub3A_997 : vector<8x3072xf32>
    %select_n3A_999 = arith.select %lt3A_991, %mul3A_995, %sub3A_998 : vector<8x3072xi1>, vector<8x3072xf32>
    %add3A_1000 = arith.addf %broadcast_in_dim3A_981, %select_n3A_999 : vector<8x3072xf32>
    %get3A_1001 = arith.constant 0 : index
    %get3A_1002 = arith.constant 1 : index
    %get3A_1003 = arith.constant 0 : index
    %get3A_1004 = arith.constant 0 : index
    %get3A_1005 = vector.load %arg1[%get3A_1001, %get3A_1002, %get3A_1003, %get3A_1004] : memref<1x4x8x3072xf32, #tpu.memory_space<vmem>>, vector<1x1x8x3072xf32>
    %get3A_1006 = vector.shape_cast %get3A_1005 : vector<1x1x8x3072xf32> to vector<8x3072xf32>
    %sub3A_1007 = arith.subf %get3A_1006, %div3A_968 : vector<8x3072xf32>
    %abs3A_1008 = math.absf %sub3A_1007 : vector<8x3072xf32>
    %lt3A_1009 = arith.constant 1.000000e+00 : f32
    %lt3A_1010 = vector.broadcast %lt3A_1009 : f32 to vector<8x3072xf32>
    %lt3A_1011 = arith.cmpf olt, %abs3A_1008, %lt3A_1010 : vector<8x3072xf32>
    %mul3A_1012 = arith.constant 5.000000e-01 : f32
    %mul3A_1013 = vector.broadcast %mul3A_1012 : f32 to vector<8x3072xf32>
    %mul3A_1014 = arith.mulf %mul3A_1013, %sub3A_1007 : vector<8x3072xf32>
    %mul3A_1015 = arith.mulf %mul3A_1014, %sub3A_1007 : vector<8x3072xf32>
    %sub3A_1016 = arith.constant 5.000000e-01 : f32
    %sub3A_1017 = vector.broadcast %sub3A_1016 : f32 to vector<8x3072xf32>
    %sub3A_1018 = arith.subf %abs3A_1008, %sub3A_1017 : vector<8x3072xf32>
    %select_n3A_1019 = arith.select %lt3A_1011, %mul3A_1015, %sub3A_1018 : vector<8x3072xi1>, vector<8x3072xf32>
    %add3A_1020 = arith.addf %add3A_1000, %select_n3A_1019 : vector<8x3072xf32>
    %get3A_1021 = arith.constant 0 : index
    %get3A_1022 = arith.constant 2 : index
    %get3A_1023 = arith.constant 0 : index
    %get3A_1024 = arith.constant 0 : index
    %get3A_1025 = vector.load %arg1[%get3A_1021, %get3A_1022, %get3A_1023, %get3A_1024] : memref<1x4x8x3072xf32, #tpu.memory_space<vmem>>, vector<1x1x8x3072xf32>
    %get3A_1026 = vector.shape_cast %get3A_1025 : vector<1x1x8x3072xf32> to vector<8x3072xf32>
    %sub3A_1027 = arith.subf %get3A_1026, %div3A_973 : vector<8x3072xf32>
    %abs3A_1028 = math.absf %sub3A_1027 : vector<8x3072xf32>
    %lt3A_1029 = arith.constant 1.000000e+00 : f32
    %lt3A_1030 = vector.broadcast %lt3A_1029 : f32 to vector<8x3072xf32>
    %lt3A_1031 = arith.cmpf olt, %abs3A_1028, %lt3A_1030 : vector<8x3072xf32>
    %mul3A_1032 = arith.constant 5.000000e-01 : f32
    %mul3A_1033 = vector.broadcast %mul3A_1032 : f32 to vector<8x3072xf32>
    %mul3A_1034 = arith.mulf %mul3A_1033, %sub3A_1027 : vector<8x3072xf32>
    %mul3A_1035 = arith.mulf %mul3A_1034, %sub3A_1027 : vector<8x3072xf32>
    %sub3A_1036 = arith.constant 5.000000e-01 : f32
    %sub3A_1037 = vector.broadcast %sub3A_1036 : f32 to vector<8x3072xf32>
    %sub3A_1038 = arith.subf %abs3A_1028, %sub3A_1037 : vector<8x3072xf32>
    %select_n3A_1039 = arith.select %lt3A_1031, %mul3A_1035, %sub3A_1038 : vector<8x3072xi1>, vector<8x3072xf32>
    %add3A_1040 = arith.addf %add3A_1020, %select_n3A_1039 : vector<8x3072xf32>
    %get3A_1041 = arith.constant 0 : index
    %get3A_1042 = arith.constant 3 : index
    %get3A_1043 = arith.constant 0 : index
    %get3A_1044 = arith.constant 0 : index
    %get3A_1045 = vector.load %arg1[%get3A_1041, %get3A_1042, %get3A_1043, %get3A_1044] : memref<1x4x8x3072xf32, #tpu.memory_space<vmem>>, vector<1x1x8x3072xf32>
    %get3A_1046 = vector.shape_cast %get3A_1045 : vector<1x1x8x3072xf32> to vector<8x3072xf32>
    %sub3A_1047 = arith.subf %get3A_1046, %div3A_979 : vector<8x3072xf32>
    %abs3A_1048 = math.absf %sub3A_1047 : vector<8x3072xf32>
    %lt3A_1049 = arith.constant 1.000000e+00 : f32
    %lt3A_1050 = vector.broadcast %lt3A_1049 : f32 to vector<8x3072xf32>
    %lt3A_1051 = arith.cmpf olt, %abs3A_1048, %lt3A_1050 : vector<8x3072xf32>
    %mul3A_1052 = arith.constant 5.000000e-01 : f32
    %mul3A_1053 = vector.broadcast %mul3A_1052 : f32 to vector<8x3072xf32>
    %mul3A_1054 = arith.mulf %mul3A_1053, %sub3A_1047 : vector<8x3072xf32>
    %mul3A_1055 = arith.mulf %mul3A_1054, %sub3A_1047 : vector<8x3072xf32>
    %sub3A_1056 = arith.constant 5.000000e-01 : f32
    %sub3A_1057 = vector.broadcast %sub3A_1056 : f32 to vector<8x3072xf32>
    %sub3A_1058 = arith.subf %abs3A_1048, %sub3A_1057 : vector<8x3072xf32>
    %select_n3A_1059 = arith.select %lt3A_1051, %mul3A_1055, %sub3A_1058 : vector<8x3072xi1>, vector<8x3072xf32>
    %add3A_1060 = arith.addf %add3A_1040, %select_n3A_1059 : vector<8x3072xf32>
    %jit3A_1061 = arith.constant 0.000000e+00 : f32
    %broadcast_in_dim3A_1062 = vector.broadcast %jit3A_1061 : f32 to vector<8x3072xf32>
    %select_n3A_1063 = arith.select %gt3A_941, %add3A_1060, %broadcast_in_dim3A_1062 : vector<8x3072xi1>, vector<8x3072xf32>
    %reduce_sum3A_1064 = vector.shape_cast %select_n3A_1063 : vector<8x3072xf32> to vector<1x8x3072xf32>
    %reduce_sum3A_1065 = arith.constant dense<0.000000e+00> : vector<1xf32>
    %reduce_sum3A_1066 = vector.multi_reduction <add>, %reduce_sum3A_1064, %reduce_sum3A_1065 [1, 2] : vector<1x8x3072xf32> to vector<1xf32>
    %reduce_sum3A_1067 = vector.shape_cast %reduce_sum3A_1066 : vector<1xf32> to vector<1x1x1xf32>
    %reduce_sum3A_1068 = vector.extract %reduce_sum3A_1067[0, 0, 0] : f32 from vector<1x1x1xf32>
    %get3A_1069 = arith.constant 0 : index
    %get3A_1070 = arith.constant 0 : index
    %get3A_1071 = arith.constant 0 : index
    %get3A_1072 = arith.constant 0 : index
    %get3A_1073 = vector.load %arg3[%get3A_1069, %get3A_1070, %get3A_1071, %get3A_1072] : memref<1x1x8x3072xf32, #tpu.memory_space<vmem>>, vector<1x1x8x3072xf32>
    %get3A_1074 = vector.shape_cast %get3A_1073 : vector<1x1x8x3072xf32> to vector<8x3072xf32>
    %eq3A_1075 = arith.constant -1.000000e+00 : f32
    %eq3A_1076 = vector.broadcast %eq3A_1075 : f32 to vector<8x3072xf32>
    %eq3A_1077 = arith.cmpf oeq, %select_n3A_929, %eq3A_1076 : vector<8x3072xf32>
    %jit3A_1078 = arith.constant -1.000000e+00 : f32
    %broadcast_in_dim3A_1079 = vector.broadcast %jit3A_1078 : f32 to vector<8x3072xf32>
    %select_n3A_1080 = arith.select %eq3A_1077, %broadcast_in_dim3A_1079, %get3A_1074 : vector<8x3072xi1>, vector<8x3072xf32>
    %sub3A_1081 = arith.subf %select_n3A_1080, %select_n3A_929 : vector<8x3072xf32>
    %integer_pow3A = arith.mulf %sub3A_1081, %sub3A_1081 : vector<8x3072xf32>
    %jit3A_1082 = arith.constant 0.000000e+00 : f32
    %broadcast_in_dim3A_1083 = vector.broadcast %jit3A_1082 : f32 to vector<8x3072xf32>
    %select_n3A_1084 = arith.select %gt3A_941, %integer_pow3A, %broadcast_in_dim3A_1083 : vector<8x3072xi1>, vector<8x3072xf32>
    %reduce_sum3A_1085 = vector.shape_cast %select_n3A_1084 : vector<8x3072xf32> to vector<1x8x3072xf32>
    %reduce_sum3A_1086 = arith.constant dense<0.000000e+00> : vector<1xf32>
    %reduce_sum3A_1087 = vector.multi_reduction <add>, %reduce_sum3A_1085, %reduce_sum3A_1086 [1, 2] : vector<1x8x3072xf32> to vector<1xf32>
    %reduce_sum3A_1088 = vector.shape_cast %reduce_sum3A_1087 : vector<1xf32> to vector<1x1x1xf32>
    %reduce_sum3A_1089 = vector.extract %reduce_sum3A_1088[0, 0, 0] : f32 from vector<1x1x1xf32>
    %get3A_1090 = arith.constant 0 : index
    %get3A_1091 = arith.constant 0 : index
    %get3A_1092 = arith.constant 0 : index
    %get3A_1093 = arith.constant 0 : index
    %get3A_1094 = vector.load %arg2[%get3A_1090, %get3A_1091, %get3A_1092, %get3A_1093] : memref<1x21x8x3072xf32, #tpu.memory_space<vmem>>, vector<1x21x8x3072xf32>
    %get3A_1095 = vector.shape_cast %get3A_1094 : vector<1x21x8x3072xf32> to vector<21x8x3072xf32>
    %exp3A = math.exp %get3A_1095 : vector<21x8x3072xf32>
    %reduce_sum3A_1096 = arith.constant dense<0.000000e+00> : vector<8x3072xf32>
    %reduce_sum3A_1097 = vector.multi_reduction <add>, %exp3A, %reduce_sum3A_1096 [0] : vector<21x8x3072xf32> to vector<8x3072xf32>
    %log3A_1098 = math.log %reduce_sum3A_1097 : vector<8x3072xf32>
    %slice3A_1099 = vector.extract_strided_slice %get3A_1095 {offsets = [0, 0, 0], sizes = [1, 8, 3072], strides = [1, 1, 1]} : vector<21x8x3072xf32> to vector<1x8x3072xf32>
    %squeeze3A_1100 = vector.shape_cast %slice3A_1099 : vector<1x8x3072xf32> to vector<8x3072xf32>
    %slice3A_1101 = vector.extract_strided_slice %get3A_1095 {offsets = [1, 0, 0], sizes = [1, 8, 3072], strides = [1, 1, 1]} : vector<21x8x3072xf32> to vector<1x8x3072xf32>
    %squeeze3A_1102 = vector.shape_cast %slice3A_1101 : vector<1x8x3072xf32> to vector<8x3072xf32>
    %slice3A_1103 = vector.extract_strided_slice %get3A_1095 {offsets = [2, 0, 0], sizes = [1, 8, 3072], strides = [1, 1, 1]} : vector<21x8x3072xf32> to vector<1x8x3072xf32>
    %squeeze3A_1104 = vector.shape_cast %slice3A_1103 : vector<1x8x3072xf32> to vector<8x3072xf32>
    %slice3A_1105 = vector.extract_strided_slice %get3A_1095 {offsets = [3, 0, 0], sizes = [1, 8, 3072], strides = [1, 1, 1]} : vector<21x8x3072xf32> to vector<1x8x3072xf32>
    %squeeze3A_1106 = vector.shape_cast %slice3A_1105 : vector<1x8x3072xf32> to vector<8x3072xf32>
    %slice3A_1107 = vector.extract_strided_slice %get3A_1095 {offsets = [4, 0, 0], sizes = [1, 8, 3072], strides = [1, 1, 1]} : vector<21x8x3072xf32> to vector<1x8x3072xf32>
    %squeeze3A_1108 = vector.shape_cast %slice3A_1107 : vector<1x8x3072xf32> to vector<8x3072xf32>
    %slice3A_1109 = vector.extract_strided_slice %get3A_1095 {offsets = [5, 0, 0], sizes = [1, 8, 3072], strides = [1, 1, 1]} : vector<21x8x3072xf32> to vector<1x8x3072xf32>
    %squeeze3A_1110 = vector.shape_cast %slice3A_1109 : vector<1x8x3072xf32> to vector<8x3072xf32>
    %slice3A_1111 = vector.extract_strided_slice %get3A_1095 {offsets = [6, 0, 0], sizes = [1, 8, 3072], strides = [1, 1, 1]} : vector<21x8x3072xf32> to vector<1x8x3072xf32>
    %squeeze3A_1112 = vector.shape_cast %slice3A_1111 : vector<1x8x3072xf32> to vector<8x3072xf32>
    %slice3A_1113 = vector.extract_strided_slice %get3A_1095 {offsets = [7, 0, 0], sizes = [1, 8, 3072], strides = [1, 1, 1]} : vector<21x8x3072xf32> to vector<1x8x3072xf32>
    %squeeze3A_1114 = vector.shape_cast %slice3A_1113 : vector<1x8x3072xf32> to vector<8x3072xf32>
    %slice3A_1115 = vector.extract_strided_slice %get3A_1095 {offsets = [8, 0, 0], sizes = [1, 8, 3072], strides = [1, 1, 1]} : vector<21x8x3072xf32> to vector<1x8x3072xf32>
    %squeeze3A_1116 = vector.shape_cast %slice3A_1115 : vector<1x8x3072xf32> to vector<8x3072xf32>
    %slice3A_1117 = vector.extract_strided_slice %get3A_1095 {offsets = [9, 0, 0], sizes = [1, 8, 3072], strides = [1, 1, 1]} : vector<21x8x3072xf32> to vector<1x8x3072xf32>
    %squeeze3A_1118 = vector.shape_cast %slice3A_1117 : vector<1x8x3072xf32> to vector<8x3072xf32>
    %slice3A_1119 = vector.extract_strided_slice %get3A_1095 {offsets = [10, 0, 0], sizes = [1, 8, 3072], strides = [1, 1, 1]} : vector<21x8x3072xf32> to vector<1x8x3072xf32>
    %squeeze3A_1120 = vector.shape_cast %slice3A_1119 : vector<1x8x3072xf32> to vector<8x3072xf32>
    %slice3A_1121 = vector.extract_strided_slice %get3A_1095 {offsets = [11, 0, 0], sizes = [1, 8, 3072], strides = [1, 1, 1]} : vector<21x8x3072xf32> to vector<1x8x3072xf32>
    %squeeze3A_1122 = vector.shape_cast %slice3A_1121 : vector<1x8x3072xf32> to vector<8x3072xf32>
    %slice3A_1123 = vector.extract_strided_slice %get3A_1095 {offsets = [12, 0, 0], sizes = [1, 8, 3072], strides = [1, 1, 1]} : vector<21x8x3072xf32> to vector<1x8x3072xf32>
    %squeeze3A_1124 = vector.shape_cast %slice3A_1123 : vector<1x8x3072xf32> to vector<8x3072xf32>
    %slice3A_1125 = vector.extract_strided_slice %get3A_1095 {offsets = [13, 0, 0], sizes = [1, 8, 3072], strides = [1, 1, 1]} : vector<21x8x3072xf32> to vector<1x8x3072xf32>
    %squeeze3A_1126 = vector.shape_cast %slice3A_1125 : vector<1x8x3072xf32> to vector<8x3072xf32>
    %slice3A_1127 = vector.extract_strided_slice %get3A_1095 {offsets = [14, 0, 0], sizes = [1, 8, 3072], strides = [1, 1, 1]} : vector<21x8x3072xf32> to vector<1x8x3072xf32>
    %squeeze3A_1128 = vector.shape_cast %slice3A_1127 : vector<1x8x3072xf32> to vector<8x3072xf32>
    %slice3A_1129 = vector.extract_strided_slice %get3A_1095 {offsets = [15, 0, 0], sizes = [1, 8, 3072], strides = [1, 1, 1]} : vector<21x8x3072xf32> to vector<1x8x3072xf32>
    %squeeze3A_1130 = vector.shape_cast %slice3A_1129 : vector<1x8x3072xf32> to vector<8x3072xf32>
    %slice3A_1131 = vector.extract_strided_slice %get3A_1095 {offsets = [16, 0, 0], sizes = [1, 8, 3072], strides = [1, 1, 1]} : vector<21x8x3072xf32> to vector<1x8x3072xf32>
    %squeeze3A_1132 = vector.shape_cast %slice3A_1131 : vector<1x8x3072xf32> to vector<8x3072xf32>
    %slice3A_1133 = vector.extract_strided_slice %get3A_1095 {offsets = [17, 0, 0], sizes = [1, 8, 3072], strides = [1, 1, 1]} : vector<21x8x3072xf32> to vector<1x8x3072xf32>
    %squeeze3A_1134 = vector.shape_cast %slice3A_1133 : vector<1x8x3072xf32> to vector<8x3072xf32>
    %slice3A_1135 = vector.extract_strided_slice %get3A_1095 {offsets = [18, 0, 0], sizes = [1, 8, 3072], strides = [1, 1, 1]} : vector<21x8x3072xf32> to vector<1x8x3072xf32>
    %squeeze3A_1136 = vector.shape_cast %slice3A_1135 : vector<1x8x3072xf32> to vector<8x3072xf32>
    %slice3A_1137 = vector.extract_strided_slice %get3A_1095 {offsets = [19, 0, 0], sizes = [1, 8, 3072], strides = [1, 1, 1]} : vector<21x8x3072xf32> to vector<1x8x3072xf32>
    %squeeze3A_1138 = vector.shape_cast %slice3A_1137 : vector<1x8x3072xf32> to vector<8x3072xf32>
    %slice3A_1139 = vector.extract_strided_slice %get3A_1095 {offsets = [20, 0, 0], sizes = [1, 8, 3072], strides = [1, 1, 1]} : vector<21x8x3072xf32> to vector<1x8x3072xf32>
    %squeeze3A_1140 = vector.shape_cast %slice3A_1139 : vector<1x8x3072xf32> to vector<8x3072xf32>
    %and3A = arith.constant 1 : i32
    %and3A_1141 = vector.broadcast %and3A : i32 to vector<8x3072xi32>
    %and3A_1142 = arith.andi %select_n3A_938, %and3A_1141 : vector<8x3072xi32>
    %eq3A_1143 = arith.constant 1 : i32
    %eq3A_1144 = vector.broadcast %eq3A_1143 : i32 to vector<8x3072xi32>
    %eq3A_1145 = arith.cmpi eq, %and3A_1142, %eq3A_1144 : vector<8x3072xi32>
    %select_n3A_1146 = arith.select %eq3A_1145, %squeeze3A_1102, %squeeze3A_1100 : vector<8x3072xi1>, vector<8x3072xf32>
    %select_n3A_1147 = arith.select %eq3A_1145, %squeeze3A_1106, %squeeze3A_1104 : vector<8x3072xi1>, vector<8x3072xf32>
    %select_n3A_1148 = arith.select %eq3A_1145, %squeeze3A_1110, %squeeze3A_1108 : vector<8x3072xi1>, vector<8x3072xf32>
    %select_n3A_1149 = arith.select %eq3A_1145, %squeeze3A_1114, %squeeze3A_1112 : vector<8x3072xi1>, vector<8x3072xf32>
    %select_n3A_1150 = arith.select %eq3A_1145, %squeeze3A_1118, %squeeze3A_1116 : vector<8x3072xi1>, vector<8x3072xf32>
    %select_n3A_1151 = arith.select %eq3A_1145, %squeeze3A_1122, %squeeze3A_1120 : vector<8x3072xi1>, vector<8x3072xf32>
    %select_n3A_1152 = arith.select %eq3A_1145, %squeeze3A_1126, %squeeze3A_1124 : vector<8x3072xi1>, vector<8x3072xf32>
    %select_n3A_1153 = arith.select %eq3A_1145, %squeeze3A_1130, %squeeze3A_1128 : vector<8x3072xi1>, vector<8x3072xf32>
    %select_n3A_1154 = arith.select %eq3A_1145, %squeeze3A_1134, %squeeze3A_1132 : vector<8x3072xi1>, vector<8x3072xf32>
    %select_n3A_1155 = arith.select %eq3A_1145, %squeeze3A_1138, %squeeze3A_1136 : vector<8x3072xi1>, vector<8x3072xf32>
    %shift_right_arithmetic3A = arith.constant 1 : i32
    %shift_right_arithmetic3A_1156 = vector.broadcast %shift_right_arithmetic3A : i32 to vector<8x3072xi32>
    %shift_right_arithmetic3A_1157 = arith.shrsi %select_n3A_938, %shift_right_arithmetic3A_1156 : vector<8x3072xi32>
    %and3A_1158 = arith.constant 1 : i32
    %and3A_1159 = vector.broadcast %and3A_1158 : i32 to vector<8x3072xi32>
    %and3A_1160 = arith.andi %shift_right_arithmetic3A_1157, %and3A_1159 : vector<8x3072xi32>
    %eq3A_1161 = arith.constant 1 : i32
    %eq3A_1162 = vector.broadcast %eq3A_1161 : i32 to vector<8x3072xi32>
    %eq3A_1163 = arith.cmpi eq, %and3A_1160, %eq3A_1162 : vector<8x3072xi32>
    %select_n3A_1164 = arith.select %eq3A_1163, %select_n3A_1147, %select_n3A_1146 : vector<8x3072xi1>, vector<8x3072xf32>
    %select_n3A_1165 = arith.select %eq3A_1163, %select_n3A_1149, %select_n3A_1148 : vector<8x3072xi1>, vector<8x3072xf32>
    %select_n3A_1166 = arith.select %eq3A_1163, %select_n3A_1151, %select_n3A_1150 : vector<8x3072xi1>, vector<8x3072xf32>
    %select_n3A_1167 = arith.select %eq3A_1163, %select_n3A_1153, %select_n3A_1152 : vector<8x3072xi1>, vector<8x3072xf32>
    %select_n3A_1168 = arith.select %eq3A_1163, %select_n3A_1155, %select_n3A_1154 : vector<8x3072xi1>, vector<8x3072xf32>
    %shift_right_arithmetic3A_1169 = arith.constant 1 : i32
    %shift_right_arithmetic3A_1170 = vector.broadcast %shift_right_arithmetic3A_1169 : i32 to vector<8x3072xi32>
    %shift_right_arithmetic3A_1171 = arith.shrsi %shift_right_arithmetic3A_1157, %shift_right_arithmetic3A_1170 : vector<8x3072xi32>
    %and3A_1172 = arith.constant 1 : i32
    %and3A_1173 = vector.broadcast %and3A_1172 : i32 to vector<8x3072xi32>
    %and3A_1174 = arith.andi %shift_right_arithmetic3A_1171, %and3A_1173 : vector<8x3072xi32>
    %eq3A_1175 = arith.constant 1 : i32
    %eq3A_1176 = vector.broadcast %eq3A_1175 : i32 to vector<8x3072xi32>
    %eq3A_1177 = arith.cmpi eq, %and3A_1174, %eq3A_1176 : vector<8x3072xi32>
    %select_n3A_1178 = arith.select %eq3A_1177, %select_n3A_1165, %select_n3A_1164 : vector<8x3072xi1>, vector<8x3072xf32>
    %select_n3A_1179 = arith.select %eq3A_1177, %select_n3A_1167, %select_n3A_1166 : vector<8x3072xi1>, vector<8x3072xf32>
    %select_n3A_1180 = arith.select %eq3A_1177, %squeeze3A_1140, %select_n3A_1168 : vector<8x3072xi1>, vector<8x3072xf32>
    %shift_right_arithmetic3A_1181 = arith.constant 1 : i32
    %shift_right_arithmetic3A_1182 = vector.broadcast %shift_right_arithmetic3A_1181 : i32 to vector<8x3072xi32>
    %shift_right_arithmetic3A_1183 = arith.shrsi %shift_right_arithmetic3A_1171, %shift_right_arithmetic3A_1182 : vector<8x3072xi32>
    %and3A_1184 = arith.constant 1 : i32
    %and3A_1185 = vector.broadcast %and3A_1184 : i32 to vector<8x3072xi32>
    %and3A_1186 = arith.andi %shift_right_arithmetic3A_1183, %and3A_1185 : vector<8x3072xi32>
    %eq3A_1187 = arith.constant 1 : i32
    %eq3A_1188 = vector.broadcast %eq3A_1187 : i32 to vector<8x3072xi32>
    %eq3A_1189 = arith.cmpi eq, %and3A_1186, %eq3A_1188 : vector<8x3072xi32>
    %select_n3A_1190 = arith.select %eq3A_1189, %select_n3A_1179, %select_n3A_1178 : vector<8x3072xi1>, vector<8x3072xf32>
    %shift_right_arithmetic3A_1191 = arith.constant 1 : i32
    %shift_right_arithmetic3A_1192 = vector.broadcast %shift_right_arithmetic3A_1191 : i32 to vector<8x3072xi32>
    %shift_right_arithmetic3A_1193 = arith.shrsi %shift_right_arithmetic3A_1183, %shift_right_arithmetic3A_1192 : vector<8x3072xi32>
    %and3A_1194 = arith.constant 1 : i32
    %and3A_1195 = vector.broadcast %and3A_1194 : i32 to vector<8x3072xi32>
    %and3A_1196 = arith.andi %shift_right_arithmetic3A_1193, %and3A_1195 : vector<8x3072xi32>
    %eq3A_1197 = arith.constant 1 : i32
    %eq3A_1198 = vector.broadcast %eq3A_1197 : i32 to vector<8x3072xi32>
    %eq3A_1199 = arith.cmpi eq, %and3A_1196, %eq3A_1198 : vector<8x3072xi32>
    %select_n3A_1200 = arith.select %eq3A_1199, %select_n3A_1180, %select_n3A_1190 : vector<8x3072xi1>, vector<8x3072xf32>
    %sub3A_1201 = arith.subf %log3A_1098, %select_n3A_1200 : vector<8x3072xf32>
    %jit3A_1202 = arith.constant 0.000000e+00 : f32
    %broadcast_in_dim3A_1203 = vector.broadcast %jit3A_1202 : f32 to vector<8x3072xf32>
    %select_n3A_1204 = arith.select %gt3A_941, %sub3A_1201, %broadcast_in_dim3A_1203 : vector<8x3072xi1>, vector<8x3072xf32>
    %reduce_sum3A_1205 = vector.shape_cast %select_n3A_1204 : vector<8x3072xf32> to vector<1x8x3072xf32>
    %reduce_sum3A_1206 = arith.constant dense<0.000000e+00> : vector<1xf32>
    %reduce_sum3A_1207 = vector.multi_reduction <add>, %reduce_sum3A_1205, %reduce_sum3A_1206 [1, 2] : vector<1x8x3072xf32> to vector<1xf32>
    %reduce_sum3A_1208 = vector.shape_cast %reduce_sum3A_1207 : vector<1xf32> to vector<1x1x1xf32>
    %reduce_sum3A_1209 = vector.extract %reduce_sum3A_1208[0, 0, 0] : f32 from vector<1x1x1xf32>
    %not3A = arith.constant dense<true> : vector<8x3072xi1>
    %not3A_1210 = arith.xori %lt3A_4, %not3A : vector<8x3072xi1>
    %or3A = arith.ori %gt3A_941, %not3A_1210 : vector<8x3072xi1>
    %jit3A_1211 = arith.constant 0.000000e+00 : f32
    %broadcast_in_dim3A_1212 = vector.broadcast %jit3A_1211 : f32 to vector<8x3072xf32>
    %select_n3A_1213 = arith.select %or3A, %broadcast_in_dim3A_1212, %sub3A_1201 : vector<8x3072xi1>, vector<8x3072xf32>
    %mul3A_1214 = arith.constant 3.000000e+00 : f32
    %mul3A_1215 = arith.mulf %reduce_sum3A_950, %mul3A_1214 : f32
    %min3A_1216 = arith.constant 2.456300e+04 : f32
    %min3A_1217 = arith.minimumf %mul3A_1215, %min3A_1216 : f32
    %scan3A = arith.constant 0 : i32
    %scan3A_1218 = arith.constant 0 : i32
    %scan3A_1219 = arith.constant 31 : i32
    %scan3A_1220 = arith.addi %scan3A_1218, %scan3A_1219 : i32
    %scan3A_1221 = arith.constant 1 : i32
    %scan3A_1222 = scf.for %scan3A_1282 = %scan3A_1218 to %scan3A_1220 step %scan3A_1221 iter_args(%scan3A_1283 = %scan3A) -> (i32)  : i32 {
      %sub3A_1284 = arith.constant 30 : i32
      %sub3A_1285 = arith.subi %sub3A_1284, %scan3A_1282 : i32
      %shift_left3A = arith.constant 1 : i32
      %shift_left3A_1286 = arith.shli %shift_left3A, %sub3A_1285 : i32
      %or3A_1287 = arith.ori %scan3A_1283, %shift_left3A_1286 : i32
      %broadcast_in_dim3A_1288 = vector.broadcast %or3A_1287 : i32 to vector<8x3072xi32>
      %bitcast_convert_type3A_1289 = tpu.bitcast %broadcast_in_dim3A_1288 : vector<8x3072xi32> -> vector<8x3072xf32>
      %ge3A = arith.cmpf oge, %select_n3A_1213, %bitcast_convert_type3A_1289 : vector<8x3072xf32>
      %jit3A_1290 = arith.constant 1.000000e+00 : f32
      %jit3A_1291 = arith.constant 0.000000e+00 : f32
      %broadcast_in_dim3A_1292 = vector.broadcast %jit3A_1290 : f32 to vector<8x3072xf32>
      %broadcast_in_dim3A_1293 = vector.broadcast %jit3A_1291 : f32 to vector<8x3072xf32>
      %select_n3A_1294 = arith.select %ge3A, %broadcast_in_dim3A_1292, %broadcast_in_dim3A_1293 : vector<8x3072xi1>, vector<8x3072xf32>
      %reduce_sum3A_1295 = vector.shape_cast %select_n3A_1294 : vector<8x3072xf32> to vector<1x8x3072xf32>
      %reduce_sum3A_1296 = arith.constant dense<0.000000e+00> : vector<1xf32>
      %reduce_sum3A_1297 = vector.multi_reduction <add>, %reduce_sum3A_1295, %reduce_sum3A_1296 [1, 2] : vector<1x8x3072xf32> to vector<1xf32>
      %reduce_sum3A_1298 = vector.shape_cast %reduce_sum3A_1297 : vector<1xf32> to vector<1x1x1xf32>
      %reduce_sum3A_1299 = vector.extract %reduce_sum3A_1298[0, 0, 0] : f32 from vector<1x1x1xf32>
      %ge3A_1300 = arith.cmpf oge, %reduce_sum3A_1299, %min3A_1217 : f32
      %select_n3A_1301 = arith.select %ge3A_1300, %or3A_1287, %scan3A_1283 : i32
      scf.yield %select_n3A_1301 : i32
    }
    %scan3A_1223 = arith.constant 31 : i32
    %broadcast_in_dim3A_1224 = vector.broadcast %scan3A_1222 : i32 to vector<8x3072xi32>
    %bitcast_convert_type3A = tpu.bitcast %broadcast_in_dim3A_1224 : vector<8x3072xi32> -> vector<8x3072xf32>
    %reduce_max3A_1225 = vector.shape_cast %bitcast_convert_type3A : vector<8x3072xf32> to vector<1x8x3072xf32>
    %reduce_max3A_1226 = arith.constant dense<0xFF800000> : vector<1xf32>
    %reduce_max3A_1227 = vector.multi_reduction <maximumf>, %reduce_max3A_1225, %reduce_max3A_1226 [1, 2] : vector<1x8x3072xf32> to vector<1xf32>
    %reduce_max3A_1228 = vector.shape_cast %reduce_max3A_1227 : vector<1xf32> to vector<1x1x1xf32>
    %reduce_max3A_1229 = vector.extract %reduce_max3A_1228[0, 0, 0] : f32 from vector<1x1x1xf32>
    %gt3A_1230 = arith.cmpf ogt, %select_n3A_1213, %bitcast_convert_type3A : vector<8x3072xf32>
    %jit3A_1231 = arith.constant 1.000000e+00 : f32
    %jit3A_1232 = arith.constant 0.000000e+00 : f32
    %broadcast_in_dim3A_1233 = vector.broadcast %jit3A_1231 : f32 to vector<8x3072xf32>
    %broadcast_in_dim3A_1234 = vector.broadcast %jit3A_1232 : f32 to vector<8x3072xf32>
    %select_n3A_1235 = arith.select %gt3A_1230, %broadcast_in_dim3A_1233, %broadcast_in_dim3A_1234 : vector<8x3072xi1>, vector<8x3072xf32>
    %reduce_sum3A_1236 = vector.shape_cast %select_n3A_1235 : vector<8x3072xf32> to vector<1x8x3072xf32>
    %reduce_sum3A_1237 = arith.constant dense<0.000000e+00> : vector<1xf32>
    %reduce_sum3A_1238 = vector.multi_reduction <add>, %reduce_sum3A_1236, %reduce_sum3A_1237 [1, 2] : vector<1x8x3072xf32> to vector<1xf32>
    %reduce_sum3A_1239 = vector.shape_cast %reduce_sum3A_1238 : vector<1xf32> to vector<1x1x1xf32>
    %reduce_sum3A_1240 = vector.extract %reduce_sum3A_1239[0, 0, 0] : f32 from vector<1x1x1xf32>
    %gt3A_1241 = arith.cmpf ogt, %select_n3A_1213, %bitcast_convert_type3A : vector<8x3072xf32>
    %jit3A_1242 = arith.constant 0.000000e+00 : f32
    %broadcast_in_dim3A_1243 = vector.broadcast %jit3A_1242 : f32 to vector<8x3072xf32>
    %select_n3A_1244 = arith.select %gt3A_1241, %select_n3A_1213, %broadcast_in_dim3A_1243 : vector<8x3072xi1>, vector<8x3072xf32>
    %reduce_sum3A_1245 = vector.shape_cast %select_n3A_1244 : vector<8x3072xf32> to vector<1x8x3072xf32>
    %reduce_sum3A_1246 = arith.constant dense<0.000000e+00> : vector<1xf32>
    %reduce_sum3A_1247 = vector.multi_reduction <add>, %reduce_sum3A_1245, %reduce_sum3A_1246 [1, 2] : vector<1x8x3072xf32> to vector<1xf32>
    %reduce_sum3A_1248 = vector.shape_cast %reduce_sum3A_1247 : vector<1xf32> to vector<1x1x1xf32>
    %reduce_sum3A_1249 = vector.extract %reduce_sum3A_1248[0, 0, 0] : f32 from vector<1x1x1xf32>
    %add3A_1250 = arith.addf %reduce_sum3A_1209, %reduce_sum3A_1249 : f32
    %sub3A_1251 = arith.subf %min3A_1217, %reduce_sum3A_1240 : f32
    %mul3A_1252 = arith.mulf %sub3A_1251, %reduce_max3A_1229 : f32
    %add3A_1253 = arith.addf %add3A_1250, %mul3A_1252 : f32
    %iota3A_1254 = tpu.iota {dimensions = array<i32: 1>} : vector<1x128xi32>
    %eq3A_1255 = arith.constant 0 : i32
    %eq3A_1256 = vector.broadcast %eq3A_1255 : i32 to vector<1x128xi32>
    %eq3A_1257 = arith.cmpi eq, %iota3A_1254, %eq3A_1256 : vector<1x128xi32>
    %jit3A_1258 = arith.constant 0.000000e+00 : f32
    %broadcast_in_dim3A_1259 = vector.broadcast %reduce_sum3A_1068 : f32 to vector<1x128xf32>
    %broadcast_in_dim3A_1260 = vector.broadcast %jit3A_1258 : f32 to vector<1x128xf32>
    %select_n3A_1261 = arith.select %eq3A_1257, %broadcast_in_dim3A_1259, %broadcast_in_dim3A_1260 : vector<1x128xi1>, vector<1x128xf32>
    %eq3A_1262 = arith.constant 1 : i32
    %eq3A_1263 = vector.broadcast %eq3A_1262 : i32 to vector<1x128xi32>
    %eq3A_1264 = arith.cmpi eq, %iota3A_1254, %eq3A_1263 : vector<1x128xi32>
    %broadcast_in_dim3A_1265 = vector.broadcast %add3A_1253 : f32 to vector<1x128xf32>
    %select_n3A_1266 = arith.select %eq3A_1264, %broadcast_in_dim3A_1265, %select_n3A_1261 : vector<1x128xi1>, vector<1x128xf32>
    %eq3A_1267 = arith.constant 2 : i32
    %eq3A_1268 = vector.broadcast %eq3A_1267 : i32 to vector<1x128xi32>
    %eq3A_1269 = arith.cmpi eq, %iota3A_1254, %eq3A_1268 : vector<1x128xi32>
    %broadcast_in_dim3A_1270 = vector.broadcast %reduce_sum3A_1089 : f32 to vector<1x128xf32>
    %select_n3A_1271 = arith.select %eq3A_1269, %broadcast_in_dim3A_1270, %select_n3A_1266 : vector<1x128xi1>, vector<1x128xf32>
    %eq3A_1272 = arith.constant 3 : i32
    %eq3A_1273 = vector.broadcast %eq3A_1272 : i32 to vector<1x128xi32>
    %eq3A_1274 = arith.cmpi eq, %iota3A_1254, %eq3A_1273 : vector<1x128xi32>
    %broadcast_in_dim3A_1275 = vector.broadcast %reduce_sum3A_950 : f32 to vector<1x128xf32>
    %select_n3A_1276 = arith.select %eq3A_1274, %broadcast_in_dim3A_1275, %select_n3A_1271 : vector<1x128xi1>, vector<1x128xf32>
    %swap3A = arith.constant 0 : index
    %swap3A_1277 = arith.constant 0 : index
    %swap3A_1278 = arith.constant 0 : index
    %swap3A_1279 = vector.load %arg6[%swap3A, %swap3A_1277, %swap3A_1278] : memref<1x1x128xf32, #tpu.memory_space<vmem>>, vector<1x1x128xf32>
    %swap3A_1280 = vector.shape_cast %swap3A_1279 : vector<1x1x128xf32> to vector<1x128xf32>
    %swap3A_1281 = vector.shape_cast %select_n3A_1276 : vector<1x128xf32> to vector<1x1x128xf32>
    tpu.vector_store %arg6[%swap3A, %swap3A_1277, %swap3A_1278], %swap3A_1281 {strides = array<i32>} : memref<1x1x128xf32, #tpu.memory_space<vmem>>, vector<1x1x128xf32>,
    return
  }
  func.func @transform_0(%arg0: i32) -> (i32, i32, i32, i32) {
    %c0_i32 = arith.constant 0 : i32
    %c0_i32_0 = arith.constant 0 : i32
    %c0_i32_1 = arith.constant 0 : i32
    %c0_i32_2 = arith.constant 0 : i32
    return %arg0, %c0_i32, %c0_i32_0, %c0_i32_1 : i32, i32, i32, i32
  }
  func.func @transform_1(%arg0: i32) -> (i32, i32, i32, i32) {
    %c0_i32 = arith.constant 0 : i32
    %c0_i32_0 = arith.constant 0 : i32
    %c0_i32_1 = arith.constant 0 : i32
    %c0_i32_2 = arith.constant 0 : i32
    return %arg0, %c0_i32, %c0_i32_0, %c0_i32_1 : i32, i32, i32, i32
  }
  func.func @transform_2(%arg0: i32) -> (i32, i32, i32, i32) {
    %c0_i32 = arith.constant 0 : i32
    %c0_i32_0 = arith.constant 0 : i32
    %c0_i32_1 = arith.constant 0 : i32
    %c0_i32_2 = arith.constant 0 : i32
    return %arg0, %c0_i32, %c0_i32_0, %c0_i32_1 : i32, i32, i32, i32
  }
  func.func @transform_3(%arg0: i32) -> (i32, i32, i32) {
    %c0_i32 = arith.constant 0 : i32
    %c0_i32_0 = arith.constant 0 : i32
    %c0_i32_1 = arith.constant 0 : i32
    %c0_i32_2 = arith.constant 0 : i32
    return %c0_i32, %c0_i32_0, %c0_i32_1 : i32, i32, i32
  }
  func.func @transform_4(%arg0: i32) -> (i32, i32, i32) {
    %c0_i32 = arith.constant 0 : i32
    %c0_i32_0 = arith.constant 0 : i32
    %c0_i32_1 = arith.constant 0 : i32
    return %arg0, %c0_i32, %c0_i32_0 : i32, i32, i32
  }
  func.func @transform_5(%arg0: i32) -> (i32, i32, i32) {
    %c0_i32 = arith.constant 0 : i32
    %c0_i32_0 = arith.constant 0 : i32
    %c0_i32_1 = arith.constant 0 : i32
    return %arg0, %c0_i32, %c0_i32_0 : i32, i32, i32
  }
}

</mosaic_0001>

<sc_bundles>
// kernel: sparse-core-data-format-call.cloned.1.call-start
scs
called_computation_lowered:
.L_overlay_start_0:
0x0: {  	s1 =	sld [smem:$0x3FD9]  }
0x1: {  	s2 =	sld [smem:$0x3FFE];
	_ =	sdelay $0x1  }
0x2: {  	s3 =	srdreg.scid  }
0x3: {  	s0 =	sand.u32 $0x1, s3  }
0x4: {  	s17 =	sshll.u32 s0, $0xA;
	s1 =	sadd.s32 s2, s1  }
0x5: {  	s1 =	sadd.s32 s1, s17  }
0x6: {  	[smem:$0x3FC3] =	sst s1  }
0x7: {  	_ = 	snop  }
0x8: {  	(tm) =	ssettm $0x1  }
0x9: {  	s18 =	sld [smem:$0x3FFB];
	_ =	sdelay $0x3  }
0xa: {  	_ =	strace s18  }
0xb: {  	s1 =	sld [smem:$0x3FFC];
	_ =	sdelay $0x3  }
0xc: {  	_ =	strace s1  }
0xd: {  	s1 =	sld [smem:$0x3FFD];
	_ =	sdelay $0x3  }
0xe: {  	_ =	strace s1  }
0xf: {  	_ =	strace $0x8FFFFFFF  }
0x10: {  	s19 =	sld [smem:$0x3FDB];
	_ =	sdelay $0x1  }
0x11: {  	s20 =	simm.s32 $_scs_section_size  }
0x12: {  	s4 =	simm.s32 $_size__tile_overlayer_lowered;
	s5 =	simm.s32 $_tile_overlayer_lowered  }
0x13: {  	s23 =	simm.s32 $0x1BFF;
	s22 =	sshll.u32 s5, $0x1;
	s1 =	sadd.s32 s20, s19  }
0x14: {  	s6 =	simm.s32 $0x0;
	s21 =	sshll.u32 s4, $0x1;
	s4 =	sadd.s32 s22, s1  }
0x15: {  	[timem:s6], [sflag:s23] =	dma.local [hbm:s4], s21  }
0x16: {  	_ =	swait.ge [sflag:s23], s21  }
0x17: {  	s2 =	ssub.s32 $0x0, s21;
	[sflag:s23] =	ssyncset.done $0x0  }
0x18: {  	[sflag:s23] =	ssyncadd.s32 s2;
	_ =	sdelay $0x1  }
0x19: {  	s24 =	simm.s32 $0x1B8B  }
0x1a: {  	_ =	swait.ge [sflag:s24], $0x1  }
0x1b: {  	[sflag:s24] =	ssyncset.done $0x0  }
0x1c: {  	s26 =	simm.s32 $0x1B8E;
	s25 =	sld [smem:$0x3FFE];
	[sflag:s24] =	ssyncadd.s32 $0xFFFFFFFF  }
0x1d: {  	s27 =	simm.s32 $execute0_lowered;
	[smem:$0x3FD2] =	sst s26  }
0x1e: {  	s4 =	sshll.u32 s27, $0x1;
	_ =	strace $0x80000046;
	[dreg:$0x1] =	wrdreg $0xFFFFFFFF  }
0x1f: {  	s28 =	simm.s32 $_size_execute0_lowered;
	s1 =	sadd.s32 s1, s4;
	[dreg:$0x0] =	wrdreg $0x0  }
0x20: {  	s4 =	sshll.u32 s28, $0x1;
	[dreg:$0x2] =	wrdreg s1  }
0x21: {  	[dreg:$0x3] =	wrdreg s4  }
0x22: {  	[dreg:$0x4] =	wrdreg $0xC0  }
0x23: {  	_ =	task [dreg:s6], $0x5FFFF  }
0x24: {  	[dreg:$0x1] =	wrdreg $0xFFFFFFFF  }
0x25: {  	[dreg:$0x0] =	wrdreg $0x60  }
0x26: {  	[dreg:$0x2] =	wrdreg s25  }
0x27: {  	[dreg:$0x3] =	wrdreg $0x9  }
0x28: {  	_ =	task.clear_ibuf [dreg:s6], $0x4FFFF;
	_ =	strace $0x90000046  }
0x29: {  	s29 =	simm.s32 $0x9;
	_ =	strace $0x80000048  }
0x2a: {  	_ =	swait.ge [sflag:s29], $0x1  }
0x2b: {  	[sflag:s29] =	ssyncadd.s32 $0xFFFFFFFF  }
0x2c: {  	_ =	strace $0x90000048  }
0x2d: {  	_ =	sfence  }
0x2e: {  	s30 =	sld [smem:$0x0];
	_ =	sdelay $0x2  }
0x2f: {  	s31 =	sshll.u32 s3, $0xD;
	s3 =	sshrl.u32 s3, $0x2  }
0x30: {  	s2 =	sand.u32 $0x4000, s31;
	s1 =	sadd.s32 s3, s30  }
0x31: {  	s0 =	sor.u32 s2, s0;
	s1 =	sshll.u32 s1, $0x11  }
0x32: {  	s0 =	sor.u32 s1, s0  }
0x33: {  	s0 =	sadd.s32 $0x8F2B, s0  }
0x34: {  	[sflag:s0] =	ssyncadd.remote.s32 $0x1  }
0x35: {  	_ =	sfence.sel $0xFFFF  }
0x36: {  	[dreg:$0x0] =	wrdreg $0xFFFFFFFF;
	(pc) =	sbr.abs _section_cstart, $3  }
0x37: {  	[dreg:$0x1] =	wrdreg $0xFFFFFFFF  }
0x38: {  	_ =	task.clear_ibuf [dreg:s6], $0x2FFFF;
	_ =	strace $0x9FFFFFFF  }
0x39: {  	(tm) =	ssettm $0x7FFFFFFF  }
tec
execute0_lowered:
.L_overlay_start_1:
0x0: {  	(tag) =	ssettag $0x1  }
0x1: {  	s0 =	srdreg.scid;
	s3 =	rddreg [dreg:$0x0]  }
0x2: {  	_ =	strace $0x80000047;
	s4 =	simm.s32 $0x1;
	s31 =	simm.s32 $0x2  }
0x3: {  	s17 =	simm.s32 $0x0;
	s8 =	simm.s32 $0x6000;
	s1 =	sshll.u32 s0, $0x4  }
0x4: {  	s9 =	simm.s32 $0x0;
	s0 =	stileid.u32;
	s1 =	sand.u32 $0x10, s1  }
0x5: {  	s15 =	simm.s32 $0x0;
	s18 =	simm.s32 $0x0;
	s2 =	sor.u32 s0, s1  }
.Ltmp0:
0x6: {  	s16 =	simm.s32 $0x0;
	s1 =	ssub.s32 $0x73, s2;
	(pc) =	sbr.rel .LBB1_1-.Ltmp0, $4  }
0x7: {  	s10 =	simm.s32 $0x0;
	s11 =	simm.s32 $0x0;
	s1 =	sshrl.u32 s1, $0x5  }
0x8: {  	s12 =	simm.s32 $0x0;
	s14 =	simm.s32 $0x0;
	s5 =	smul.u32 $0xC, s1  }
0x9: {  	s24 =	simm.s32 $0x0;
	s6 =	sadd.s32 $0x1F8000, s3;
	[sflag:s4] =	ssyncpa.u1 $0x0  }
0xa: {  	[sflag:s31] =	ssyncpa.u1 $0x0;
	s13 =	smov.u32 s2;
	s7 =	sor.u32 $0x1, s5  }
.LBB1_7:
0xb: {  	s1 =	sadd.s32 $0x100, s10  }
0xc: {  	s15 =	sadd.s32 $0x8, s11;
	s19 =	smov.u32 s11;
	p1 =	sgt.s32 s1, $0xBFF  }
0xd: {  	s19 =	smov.u32 @p1 s15  }
0xe: {  	s20 =	smov.u32 s12;
	s15 =	sadd.s32 $0x8, s12;
	p2 =	sgt.s32 s19, $0x7  }
0xf: {  	s20 =	smov.u32 @p2 s15  }
0x10: {  	s21 =	smov.u32 s13;
	s15 =	sadd.s32 $0x20, s13;
	p3 =	sgt.s32 s20, $0x7  }
0x11: {  	p0 =	slt.u32 s14, $0x2;
	s21 =	smov.u32 @p3 s15  }
0x12: {  	s17 =	smov.u32 s10;
	s1 =	simm.s32 @p1 $0x0;
	p1 =	sgt.s32 s21, $0x53  }
0x13: {  	s22 =	simm.s32 @!p0 $0x2;
	s21 =	smov.u32 @p1 s2;
	p1 =	sne.s32 s14, s7  }
.Ltmp1:
0x14: {  	s18 =	smov.u32 s12;
	_ =	swait.ge @!p0 [sflag:s22], $0x4000;
	(pc) =	sbr.rel @!p1 .LBB1_8-.Ltmp1, $4  }
0x15: {  	s16 =	smov.u32 s13;
	s9 =	sadd.s32 $0x4000, s9;
	[sflag:s22] =	ssyncset.done @!p0 $0x0  }
0x16: {  	s10 =	smov.u32 s1;
	s19 =	simm.s32 @p2 $0x0;
	[sflag:s22] =	ssyncadd.s32 @!p0 $0xFFFFC000  }
0x17: {  	s20 =	simm.s32 @p3 $0x0;
	s15 =	smov.u32 s11;
	s11 =	smov.u32 s19  }
0x18: {  	s12 =	smov.u32 s20;
	s14 =	sadd.s32 $0x1, s14;
	s13 =	smov.u32 s21  }
.LBB1_1:
0x19: {  	p0 =	sge.u32 s14, s5  }
0x1a: {  	s1 =	sshrl.u32 @!p0 s11, $0x3  }
0x1b: {  	s19 =	sshll.u32 @!p0 s10, $0x3;
	s20 =	sshll.u32 @!p0 s11, $0x7;
	s1 =	smul.u32 @!p0 $0x6000, s1  }
0x1c: {  	s21 =	sand.u32 @!p0 $0x7F, s10;
	s19 =	sand.u32 @!p0 $0xFFFFFC00, s19;
	s20 =	sand.u32 @!p0 $0x380, s20  }
0x1d: {  	s1 =	sadd.s32 @!p0 s1, s19;
	s19 =	sor.u32 @!p0 s21, s20  }
0x1e: {  	s19 =	sor.u32 @!p0 s1, s19  }
0x1f: {  	s20 =	smulhi.u32 @!p0 $0xAAAAAAAB, s19  }
0x20: {  	s1 =	smulhi.u32 @!p0 $0xAAAAAAAB, s1  }
0x21: {  	s31 =	sadd.s32 $0xFFFFFFFF, s14;
	s22 =	smul.u32 @!p0 $0x6000, s13;
	s20 =	sshrl.u32 @!p0 s20, $0xB  }
0x22: {  	s21 =	sxor.u32 @!p0 $0xFFFFFFFF, s14;
	s1 =	sshrl.u32 @!p0 s1, $0xB;
	s20 =	smul.u32 @!p0 $0xC00, s20  }
0x23: {  	s23 =	smul.u32 @!p0 $0xC00, s12;
	s21 =	sshll.u32 @!p0 s21, $0xE;
	s1 =	sand.u32 @!p0 $0x7, s1  }
0x24: {  	s1 =	smul.u32 @!p0 $0x180, s1;
	s19 =	ssub.s32 @!p0 s19, s20;
	s20 =	sadd.s32 @!p0 s3, s22  }
0x25: {  	s21 =	sand.u32 @!p0 $0x4000, s21;
	s20 =	sadd.s32 @!p0 s23, s20;
	s22 =	sand.u32 @!p0 $0x7, s19  }
0x26: {  	s19 =	sshrl.u32 @!p0 s19, $0x3;
	s1 =	sadd.s32 @!p0 s1, s20;
	s20 =	sshll.u32 @!p0 s22, $0x12  }
0x27: {  	s1 =	sadd.s32 @!p0 s19, s1;
	s19 =	sor.u32 @!p0 $0x800, s20;
	s20 =	simm.s32 @!p0 $0x6000  }
0x28: {  	[tilespmem:s21], [sflag:$0x1] =	stream.strided.gather @!p0 [hbm4b:s1+s19], $0x4000, s20, s19, $0x38;
	[tilespmem:$0x10000] =	vst v63  }
0x29: {  	p0 =	sge.u32 s31, s5  }
.Ltmp2:
0x2a: {  	_ = 	snop;
	(pc) =	sbr.rel @p0 .LBB1_7-.Ltmp2, $1  }
0x2b: {  	_ =	sdelay $0x3  }
0x2c: {  	s1 =	sshll.u32 s9, $0x2;
	_ =	swait.ge [sflag:s4], $0x4000;
	s19 =	sshll.u32 s14, $0xE  }
0x2d: {  	p0 =	por $0x0, $0x0;
	s25 =	simm.s32 $0x0;
	s26 =	simm.s32 $0x0  }
0x2e: {  	s1 =	sand.u32 $0x10000, s1;
	[sflag:s4] =	ssyncset.done $0x0;
	s22 =	sand.u32 $0x4000, s19  }
0x2f: {  	s1 =	sshrl.u32 s1, $0x2;
	[sflag:s4] =	ssyncadd.s32 $0xFFFFC000;
	s19 =	sor.u32 $0x8000, s22  }
0x30: {  	s20 =	sor.u32 $0x40, s1;
	s21 =	sor.u32 $0x8410, s1;
	s23 =	sadd.s32 $0x8400, s1  }
.LBB1_3:
0x31: {  	v1 =	vld [tilespmem:s20+$0xFFFFFFD0]  }
0x32: {  	v2 =	vld [tilespmem:s20+$0x430]  }
0x33: {  	s1 =	sshll.u32 s26, $0xB;
	v4 =	vld [tilespmem:s20+$0xFFFFFFE0]  }
0x34: {  	v7 =	vld [tilespmem:s20+$0xFFFFFFF0];
	v0 =	vmov s1  }
0x35: {  	v8 =	vld [tilespmem:s20+$0x0]  }
0x36: {  	v9 =	vld [tilespmem:s20+$0x10];
	s1 =	sand.u32 $0x300, s24  }
0x37: {  	s27 =	sand.u32 $0x80, s24;
	v10 =	vld [tilespmem:s20+$0x20];
	s1 =	sadd.s32 s1, s22  }
0x38: {  	v11 =	vld [tilespmem:s20+$0x30];
	s1 =	sadd.s32 s27, s1;
	s27 =	simm.s32 $0x1;
	[tilespmem:s21+$0x60] =	vst v2  }
0x39: {  	s27 =	simm.s32 @!p0 $0x0;
	[tilespmem:s21+$0xFFFFFC00] =	vst v1;
	v3 =	vld.idx.msk [tilespmem:v0+s1+$0x400 ss:$0x1], $0xffff;
	s1 =	sshll.u32 s25, $0x2  }
0x3a: {  	v6 =	vld [tilespmem:s20+$0x3D0];
	s27 =	sshll.u32 s27, $0x9;
	[tilespmem:s21+$0xFFFFFC10] =	vst v4;
	s1 =	sand.u32 $0xFFFFFC00, s1  }
0x3b: {  	v5 =	vld [tilespmem:s20+$0x3E0];
	[tilespmem:s21+$0xFFFFFC20] =	vst v7;
	s1 =	sor.u32 s27, s1  }
0x3c: {  	[tilespmem:s21+$0xFFFFFC30] =	vst v8;
	v4 =	vld [tilespmem:s20+$0x400];
	s1 =	sshrl.u32 s1, $0x2  }
0x3d: {  	[tilespmem:s21+$0xFFFFFC40] =	vst v9;
	v1 =	vld [tilespmem:s20+$0x410];
	s27 =	sadd.s32 s1, s23  }
0x3e: {  	[tilespmem:s27+$0x0] =	vst v3;
	v3 =	vld [tilespmem:s20+$0x3F0]  }
0x3f: {  	s31 =	simm.s32 $0x80;
	s30 =	simm.s32 $0x100;
	[tilespmem:s21+$0xFFFFFC50] =	vst v10;
	v2 =	vld [tilespmem:s20+$0x420]  }
0x40: {  	s28 =	sadd.s32 $0x80, s20;
	s29 =	smov.u32 s21;
	v7 =	vld [tilespmem:s20+$0xFFFFFFC0];
	[tilespmem:s21+$0xFFFFFC60] =	vst v11;
	s1 =	sand.u32 $0x300, s31  }
.LBB1_4:
0x41: {  	p1 =	sne.s32 s30, $0x380;
	v8 =	vld [tilespmem:s28+$0xFFFFFFD0];
	s31 =	sand.u32 $0x80, s31;
	s1 =	sadd.s32 s1, s22;
	[tilespmem:s29+$0x0] =	vst v6  }
0x42: {  	s1 =	sadd.s32 s31, s1;
	v6 =	vld [tilespmem:s28+$0x430];
	[tilespmem:s29+$0x10] =	vst v5;
	s31 =	smov.u32 s30  }
0x43: {  	v5 =	vld.idx.msk [tilespmem:v0+s1+$0x400 ss:$0x1], $0xffff;
	[tilespmem:s29+$0x20] =	vst v3  }
0x44: {  	v3 =	vld [tilespmem:s28+$0xFFFFFFE0];
	[tilespmem:s29+$0x30] =	vst v4  }
0x45: {  	v4 =	vld [tilespmem:s28+$0xFFFFFFF0];
	[tilespmem:s29+$0xFFFFFBF0] =	vst v7  }
0x46: {  	v7 =	vld [tilespmem:s28+$0x0];
	[tilespmem:s29+$0x40] =	vst v1  }
0x47: {  	v1 =	vld [tilespmem:s28+$0x10];
	[tilespmem:s29+$0x50] =	vst v2;
	s29 =	sadd.s32 $0x800, s29  }
0x48: {  	s27 =	sadd.s32 $0x800, s27;
	v2 =	vld [tilespmem:s28+$0x20];
	[tilespmem:s29+$0x60] =	vst v6  }
0x49: {  	v9 =	vld [tilespmem:s28+$0x30];
	[tilespmem:s27+$0x0] =	vst v5  }
0x4a: {  	[tilespmem:s29+$0xFFFFFC00] =	vst v8;
	v6 =	vld [tilespmem:s28+$0x3D0]  }
0x4b: {  	[tilespmem:s29+$0xFFFFFC10] =	vst v3;
	v5 =	vld [tilespmem:s28+$0x3E0]  }
.Ltmp3:
0x4c: {  	[tilespmem:s29+$0xFFFFFC20] =	vst v4;
	v3 =	vld [tilespmem:s28+$0x3F0];
	(pc) =	sbr.rel @p1 .LBB1_4-.Ltmp3, $4  }
0x4d: {  	[tilespmem:s29+$0xFFFFFC30] =	vst v7;
	v4 =	vld [tilespmem:s28+$0x400]  }
0x4e: {  	[tilespmem:s29+$0xFFFFFC40] =	vst v1;
	v1 =	vld [tilespmem:s28+$0x410]  }
0x4f: {  	[tilespmem:s29+$0xFFFFFC50] =	vst v2;
	v2 =	vld [tilespmem:s28+$0x420]  }
0x50: {  	s30 =	sadd.s32 $0x80, s30;
	s1 =	sand.u32 $0x300, s31;
	v7 =	vld [tilespmem:s28+$0xFFFFFFC0];
	[tilespmem:s29+$0xFFFFFC60] =	vst v9;
	s28 =	sadd.s32 $0x80, s28  }
0x51: {  	[tilespmem:s29+$0x0] =	vst v6  }
0x52: {  	[tilespmem:s29+$0x10] =	vst v5  }
0x53: {  	v49 =	vld [tilespmem:s28+$0x430];
	[tilespmem:s29+$0x20] =	vst v3  }
0x54: {  	v50 =	vld [tilespmem:s28+$0xFFFFFFD0];
	[tilespmem:s29+$0x30] =	vst v4  }
0x55: {  	v51 =	vld [tilespmem:s28+$0xFFFFFFE0];
	[tilespmem:s29+$0x40] =	vst v1  }
0x56: {  	v52 =	vld [tilespmem:s28+$0xFFFFFFF0];
	[tilespmem:s29+$0x50] =	vst v2  }
0x57: {  	s30 =	sand.u32 $0x80, s31;
	s31 =	sadd.s32 $0x800, s29;
	v53 =	vld [tilespmem:s28+$0x0];
	[tilespmem:s29+$0xFFFFFBF0] =	vst v7  }
0x58: {  	v54 =	vld [tilespmem:s28+$0x10];
	[tilespmem:s31+$0x60] =	vst v49  }
0x59: {  	v55 =	vld [tilespmem:s28+$0x20];
	[tilespmem:s31+$0xFFFFFC00] =	vst v50  }
0x5a: {  	v56 =	vld [tilespmem:s28+$0x30];
	[tilespmem:s31+$0xFFFFFC10] =	vst v51  }
0x5b: {  	v57 =	vld [tilespmem:s28+$0x3D0];
	[tilespmem:s31+$0xFFFFFC20] =	vst v52  }
0x5c: {  	v58 =	vld [tilespmem:s28+$0x3E0];
	[tilespmem:s31+$0xFFFFFC30] =	vst v53  }
0x5d: {  	v59 =	vld [tilespmem:s28+$0x3F0];
	[tilespmem:s31+$0xFFFFFC40] =	vst v54  }
0x5e: {  	v60 =	vld [tilespmem:s28+$0x400];
	[tilespmem:s31+$0xFFFFFC50] =	vst v55  }
0x5f: {  	v61 =	vld [tilespmem:s28+$0xFFFFFFC0];
	[tilespmem:s31+$0xFFFFFC60] =	vst v56  }
0x60: {  	s1 =	sadd.s32 s1, s22;
	v62 =	vld [tilespmem:s28+$0x410];
	[tilespmem:s31+$0x0] =	vst v57  }
0x61: {  	v63 =	vld [tilespmem:s28+$0x420];
	s26 =	sadd.s32 $0x1, s26;
	s1 =	sadd.s32 s30, s1;
	[tilespmem:s31+$0x10] =	vst v58  }
0x62: {  	p1 =	sne.s32 s26, $0x8;
	v0 =	vld.idx.msk [tilespmem:v0+s1+$0x400 ss:$0x1], $0xffff;
	[tilespmem:s31+$0x20] =	vst v59  }
.Ltmp4:
0x63: {  	[tilespmem:s31+$0x30] =	vst v60;
	(pc) =	sbr.rel @p1 .LBB1_3-.Ltmp4, $4  }
0x64: {  	[tilespmem:s31+$0xFFFFFBF0] =	vst v61  }
0x65: {  	[tilespmem:s31+$0x40] =	vst v62  }
0x66: {  	s27 =	sadd.s32 $0x800, s27;
	s20 =	sadd.s32 $0x800, s20;
	[tilespmem:s31+$0x50] =	vst v63  }
0x67: {  	s25 =	sadd.s32 $0x80, s25;
	p0 =	por !p0, !p0;
	s21 =	sadd.s32 $0x80, s21;
	[tilespmem:s27+$0x0] =	vst v0  }
0x68: {  	s1 =	sshrl.u32 s18, $0x3  }
0x69: {  	s20 =	sshll.u32 s17, $0x3;
	s27 =	sshll.u32 s18, $0x7;
	s1 =	smul.u32 $0x6000, s1  }
0x6a: {  	s28 =	sand.u32 $0x7F, s17;
	s20 =	sand.u32 $0xFFFFFC00, s20;
	s18 =	sand.u32 $0x380, s27  }
0x6b: {  	s17 =	sor.u32 s18, s28;
	s1 =	sadd.s32 s1, s20  }
0x6c: {  	s17 =	sor.u32 s1, s17;
	s1 =	smulhi.u32 $0xAAAAAAAB, s1  }
0x6d: {  	s29 =	smulhi.u32 $0xAAAAAAAB, s17  }
0x6e: {  	s16 =	smul.u32 $0x6000, s16  }
0x6f: {  	s15 =	smul.u32 $0xC00, s15;
	s1 =	sshrl.u32 s1, $0xB;
	s18 =	sshrl.u32 s29, $0xB  }
0x70: {  	s1 =	sand.u32 $0x7, s1;
	s18 =	smul.u32 $0xC00, s18  }
0x71: {  	s1 =	smul.u32 $0x180, s1  }
.Ltmp5:
0x72: {  	s16 =	sadd.s32 s6, s16;
	s17 =	ssub.s32 s17, s18;
	(pc) =	sbr.rel .LBB1_7-.Ltmp5, $4  }
0x73: {  	s15 =	sadd.s32 s15, s16;
	s30 =	sand.u32 $0x7, s17  }
0x74: {  	s1 =	sadd.s32 s1, s15;
	s17 =	sshrl.u32 s17, $0x3;
	s31 =	sshll.u32 s30, $0x12  }
0x75: {  	s1 =	sadd.s32 s17, s1;
	s15 =	sor.u32 $0x800, s31  }
0x76: {  	[hbm4b:s1+s15] =	stream.strided.scatter [tilespmem:s19], [sflag:$0x2], $0x4000, s8, s15, $0x38;
	[tilespmem:$0x10000] =	vst v63  }
.LBB1_8:
0x77: {  	_ =	sfence.sel $0x180000  }
0x78: {  	s1 =	simm.s32 $0x1;
	[bflag:$0x0] =	sbarrier.arrive $0xFFFF  }
0x79: {  	s31 =	simm.s32 $0x2;
	[sflag:s1] =	ssyncpa.u1 $0x1  }
0x7a: {  	[sflag:s31] =	ssyncpa.u1 $0x1  }
0x7b: {  	_ =	strace $0x90000047  }
0x7c: {  	[bflag:$0x2] =	sbarrier.arrive $0xFFFF  }
0x7d: {  	p0 =	sne.s32 s0, $0x0;
	s0 =	rddreg [dreg:$0x1]  }
0x7e: {  	s0 =	sadd.s32 @!p0 $0x100000, s0  }
0x7f: {  	[sflag:s0] =	ssyncadd.tile.s32 @!p0 $0x1;
	_ =	shalt  }
.Lfunc_end1:
_tile_overlayer_lowered:
.L_overlay_start_2:
0x80: {  	(tag) =	ssettag $0x2  }
0x81: {  	s0 =	rddreg [dreg:$0x0];
	s2 =	stileid.u32  }
0x82: {  	s1 =	rddreg [dreg:$0x1];
	p0 =	sne.s32 s2, $0x0  }
0x83: {  	s3 =	rddreg [dreg:$0x2];
	[bflag:$0x3] =	sbarrier.arrive $0xFFFF;
	s2 =	simm.s32 @!p0 $0x1C01  }
0x84: {  	[timem:s3], [sflag:s2] =	dma.local @!p0 [hbm:s0], s1  }
0x85: {  	s0 =	simm.s32 @!p0 $0x1  }
0x86: {  	_ =	swait.ge @!p0 [sflag:s0], s1  }
0x87: {  	s1 =	ssub.s32 @!p0 $0x0, s1;
	[sflag:s0] =	ssyncset.done @!p0 $0x0  }
0x88: {  	[sflag:s0] =	ssyncadd.s32 @!p0 s1  }
0x89: {  	[bflag:$0x3] =	sbarrier.arrive $0xFFFF  }
0x8a: {  	_ =	shalt  }

</sc_bundles>
